<compile_context>
chip_gen: v7x
topology: tpu7x:2x2x1
jax: 0.10.2.dev20260603
libtpu: 0.0.44.dev20260713+nightly
codegen_flags: <defaults>
</compile_context>

<pallas_src>
import functools

import numpy as np
import jax
import jax.numpy as jnp
from jax import lax
from jax.experimental import pallas as pl
from jax.experimental.pallas import tpu as pltpu
from jax.experimental.pallas import tpu_sc as plsc

_SHAPE = (16, 16, 16)
_PROB = 0.5
_B = 4
_D = 1024
_N = _SHAPE[0] * _SHAPE[1] * _SHAPE[2]
_K = int(round(_N * (1.0 - _PROB)))

_RUN = 8
_NRUNS = _K // _RUN
_NW = 32
_RUNS_PER_W = (_B * _NRUNS) // _NW


def _keep_rows(batch, shape, prob):
    rng = np.random.RandomState(0)
    X, Y, Z = shape
    N = X * Y * Z
    wanted = int(round(N * (1.0 - prob)))
    tokens_per_dim = [Y * Z, X * Z, X * Y]
    full_slices = [wanted // t for t in tokens_per_dim]
    remainders = [wanted % t for t in tokens_per_dim]
    out = []
    for _ in range(batch):
        dim = int(rng.randint(0, 3))
        n_keep = full_slices[dim]
        leftover = remainders[dim]
        start = int(rng.randint(1, shape[dim] - (n_keep + 1) + 1))
        prev = int(rng.randint(0, 2))
        next_slice = start - 1 if prev else start + n_keep
        mask = np.zeros(shape, dtype=bool)
        if dim == 0:
            mask[start:start + n_keep, :, :] = True
            if leftover > 0:
                perm = rng.permutation(Y * Z)[:leftover]
                mask[next_slice, perm // Z, perm % Z] = True
        elif dim == 1:
            mask[:, start:start + n_keep, :] = True
            if leftover > 0:
                perm = rng.permutation(X * Z)[:leftover]
                mask[perm // Z, next_slice, perm % Z] = True
        else:
            mask[:, :, start:start + n_keep] = True
            if leftover > 0:
                perm = rng.permutation(X * Y)[:leftover]
                mask[perm // Y, perm % Y, next_slice] = True
        out.append(np.nonzero(mask.reshape(-1))[0])
    return np.stack(out, axis=0).astype(np.int32)


_KEEP = _keep_rows(_B, _SHAPE, _PROB)
assert _KEEP.shape == (_B, _K)

_grp = _KEEP.reshape(_B, _NRUNS, _RUN).astype(np.int64)
assert (_grp == _grp[:, :, :1] + np.arange(_RUN)).all(), "non-contiguous run"
_R0 = _grp[:, :, 0]
_A = _R0[:, 0]
_Q = _R0[:, 1] - _R0[:, 0]
_P = _R0[:, 16] - _R0[:, 0]
_j = np.arange(_NRUNS)
assert (
    _A[:, None] + (_j // 16)[None, :] * _P[:, None]
    + (_j % 16)[None, :] * _Q[:, None] == _R0
).all(), "affine run-start fit failed"
_A, _P, _Q = _A.tolist(), _P.tolist(), _Q.tolist()


_ROWS_PER_W = (_B * _K) // _NW
_CH = 32
_NCH = _ROWS_PER_W // _CH
_NBUF = 3


def _sel4(b, vals):
    v = [jnp.int32(int(x)) for x in vals]
    return jnp.where(
        b == 0, v[0], jnp.where(b == 1, v[1], jnp.where(b == 2, v[2], v[3]))
    )


def _gather_body(x_hbm, o_hbm, idx_v, buf, *sems):
    gsems = sems[:_NBUF]
    ssems = sems[_NBUF:]
    c = lax.axis_index("c")
    s = lax.axis_index("s")
    w = s * 2 + c
    base = w * _ROWS_PER_W
    b = w // 8
    a_c = _sel4(b, _A)
    p_c = _sel4(b, _P)
    q_c = _sel4(b, _Q)
    boff = b * _N
    lane = lax.iota(jnp.int32, 16)
    for i in range(_NCH):
        for v in range(_CH // 16):
            k = base + i * _CH + v * 16 + lane
            rem = jnp.bitwise_and(k, _K - 1)
            j = jnp.right_shift(rem, 3)
            t = jnp.bitwise_and(rem, 7)
            src = (
                boff + a_c + jnp.right_shift(j, 4) * p_c
                + jnp.bitwise_and(j, 15) * q_c + t
            )
            idx_v[pl.ds(i * _CH + v * 16, 16)] = src

    def gather(i):
        return pltpu.make_async_copy(
            x_hbm.at[idx_v.at[pl.ds(i * _CH, _CH)]],
            buf.at[i % _NBUF],
            gsems[i % _NBUF],
        )

    def put(i):
        return pltpu.make_async_copy(
            buf.at[i % _NBUF],
            o_hbm.at[pl.ds(base + i * _CH, _CH), :],
            ssems[i % _NBUF],
        )

    g_st = {}
    s_st = {}
    for i in range(min(_NBUF, _NCH)):
        g_st[i] = gather(i)
        g_st[i].start()
    last_waited = -1
    for i in range(_NCH):
        la = i + _NBUF - 1
        if i >= 1 and la < _NCH:
            s_st[i - 1].wait()
            last_waited = i - 1
            g_st[la] = gather(la)
            g_st[la].start()
        g_st[i].wait()
        s_st[i] = put(i)
        s_st[i].start()
    for i in range(last_waited + 1, _NCH):
        s_st[i].wait()


def kernel(x):
    x2 = x.reshape(_B * _N, _D)
    mesh = plsc.VectorSubcoreMesh(core_axis_name="c", subcore_axis_name="s")
    run = functools.partial(
        pl.kernel,
        out_type=jax.ShapeDtypeStruct((_B * _K, _D), jnp.float32),
        mesh=mesh,
        scratch_types=[
            pltpu.VMEM((_NCH * _CH,), jnp.int32),
            pltpu.VMEM((_NBUF, _CH, _D), jnp.float32),
        ] + [pltpu.SemaphoreType.DMA] * (2 * _NBUF),
    )(_gather_body)
    out = run(x2)
    return out.reshape(_B, _K, _D)

# --- scband reference (transcript-rebuilt; emitter-appended) ---
"""Pipeline reference for scband-structured-patch-dropout-83004537962905 (READ-ONLY COPY).

The authoritative reference and input builder live on the scoring server;
editing this copy changes nothing except your own understanding.
"""

import jax, jax.numpy as jnp
import numpy as np

SHAPE = (16, 16, 16)
PROB = 0.5
B = 4
D = 1024


def _keep_indices(batch, shape, prob):
    # Deterministic stand-in for python random.randint / torch.randperm in the
    # torch module's determine_keep_indices (seeded RNG, same structural logic).
    rng = np.random.RandomState(0)
    X, Y, Z = shape
    N = X * Y * Z
    wanted = int(round(N * (1.0 - prob)))
    tokens_per_dim = [Y * Z, X * Z, X * Y]
    full_slices = [wanted // t for t in tokens_per_dim]
    remainders = [wanted % t for t in tokens_per_dim]
    out = []
    for _ in range(batch):
        dim = int(rng.randint(0, 3))
        n_keep = full_slices[dim]
        leftover = remainders[dim]
        # python randint(a, b) is inclusive of b -> np.randint(a, b + 1)
        start = int(rng.randint(1, shape[dim] - (n_keep + 1) + 1))
        prev = int(rng.randint(0, 2))
        next_slice = start - 1 if prev else start + n_keep
        mask = np.zeros(shape, dtype=bool)
        if dim == 0:
            mask[start:start + n_keep, :, :] = True
            if leftover > 0:
                perm = rng.permutation(Y * Z)[:leftover]
                mask[next_slice, perm // Z, perm % Z] = True
        elif dim == 1:
            mask[:, start:start + n_keep, :] = True
            if leftover > 0:
                perm = rng.permutation(X * Z)[:leftover]
                mask[perm // Z, next_slice, perm % Z] = True
        else:
            mask[:, :, start:start + n_keep] = True
            if leftover > 0:
                perm = rng.permutation(X * Y)[:leftover]
                mask[perm // Y, perm % Y, next_slice] = True
        out.append(np.nonzero(mask.reshape(-1))[0])
    return np.stack(out, axis=0).astype(np.int32)


def setup_inputs(seed: int = 0):
    key = jax.random.key(seed)
    N = SHAPE[0] * SHAPE[1] * SHAPE[2]
    x = jax.random.normal(key, (B, N, D), dtype=jnp.float32)
    return {"x": x}


def reference(x):
    # training-mode forward: structured keep-index selection + gather along seq dim
    keep = jnp.asarray(_keep_indices(x.shape[0], SHAPE, PROB))  # [B, K] int32
    out = jnp.take_along_axis(x, keep[:, :, None], axis=1)  # [B, K, D]
    return out

if __name__ == "__main__":
    import jax
    _d = setup_inputs()
    print(jax.jit(kernel)(*tuple(_d.values())))

</pallas_src>

<mosaic_0001>
#map = affine_map<(d0, d1) -> (0, 0)>
module attributes {stable_mosaic.version = 14 : i64} {
  func.func @_gather_body(%arg0: i32, %arg1: i32, %arg2: memref<16384x1024xf32, #tpu.memory_space<hbm>>, %arg3: memref<8192x1024xf32, #tpu.memory_space<hbm>>, %arg4: memref<256xi32, #tpu.memory_space<vmem>>, %arg5: memref<3x32x1024xf32, #tpu.memory_space<vmem>>, %arg6: memref<!tpu.dma_semaphore, #tpu.memory_space<semaphore_mem>>, %arg7: memref<!tpu.dma_semaphore, #tpu.memory_space<semaphore_mem>>, %arg8: memref<!tpu.dma_semaphore, #tpu.memory_space<semaphore_mem>>, %arg9: memref<!tpu.dma_semaphore, #tpu.memory_space<semaphore_mem>>, %arg10: memref<!tpu.dma_semaphore, #tpu.memory_space<semaphore_mem>>, %arg11: memref<!tpu.dma_semaphore, #tpu.memory_space<semaphore_mem>>) attributes {dimension_semantics = [#tpu.dimension_semantics<core_parallel>, #tpu.dimension_semantics<subcore_parallel>], iteration_bounds = array<i64: 2, 16>, scalar_prefetch = 0 : i64, scratch_operands = 8 : i64, tpu.core_type = #tpu.core_type<sc_vector_subcore>, window_params = [{transform_indices = #map}, {transform_indices = #map}]} {
    %mul3A = arith.constant 2 : i32
    %mul3A_0 = arith.muli %arg1, %mul3A : i32
    %add3A = arith.addi %mul3A_0, %arg0 : i32
    %mul3A_1 = arith.constant 256 : i32
    %mul3A_2 = arith.muli %add3A, %mul3A_1 : i32
    %jit3A = arith.constant 8 : i32
    %div3A = arith.divsi %add3A, %jit3A : i32
    %sign3A = arith.constant 0 : i32
    %sign3A_3 = arith.cmpi sgt, %add3A, %sign3A : i32
    %sign3A_4 = arith.extui %sign3A_3 : i1 to i32
    %sign3A_5 = arith.constant 0 : i32
    %sign3A_6 = arith.cmpi slt, %add3A, %sign3A_5 : i32
    %sign3A_7 = arith.extui %sign3A_6 : i1 to i32
    %sign3A_8 = arith.subi %sign3A_4, %sign3A_7 : i32
    %sign3A_9 = arith.constant 0 : i32
    %sign3A_10 = arith.cmpi sgt, %jit3A, %sign3A_9 : i32
    %sign3A_11 = arith.extui %sign3A_10 : i1 to i32
    %sign3A_12 = arith.constant 0 : i32
    %sign3A_13 = arith.cmpi slt, %jit3A, %sign3A_12 : i32
    %sign3A_14 = arith.extui %sign3A_13 : i1 to i32
    %sign3A_15 = arith.subi %sign3A_11, %sign3A_14 : i32
    %ne3A = arith.cmpi ne, %sign3A_8, %sign3A_15 : i32
    %rem3A = arith.remsi %add3A, %jit3A : i32
    %ne3A_16 = arith.constant 0 : i32
    %ne3A_17 = arith.cmpi ne, %rem3A, %ne3A_16 : i32
    %and3A = arith.andi %ne3A, %ne3A_17 : i1
    %sub3A = arith.constant 1 : i32
    %sub3A_18 = arith.subi %div3A, %sub3A : i32
    %select_n3A = arith.select %and3A, %sub3A_18, %div3A : i32
    %eq3A = arith.constant 0 : i32
    %eq3A_19 = arith.cmpi eq, %select_n3A, %eq3A : i32
    %eq3A_20 = arith.constant 1 : i32
    %eq3A_21 = arith.cmpi eq, %select_n3A, %eq3A_20 : i32
    %eq3A_22 = arith.constant 2 : i32
    %eq3A_23 = arith.cmpi eq, %select_n3A, %eq3A_22 : i32
    %jit3A_24 = arith.constant 5 : i32
    %jit3A_25 = arith.constant 1 : i32
    %select_n3A_26 = arith.select %eq3A_23, %jit3A_24, %jit3A_25 : i32
    %jit3A_27 = arith.constant 64 : i32
    %select_n3A_28 = arith.select %eq3A_21, %jit3A_27, %select_n3A_26 : i32
    %jit3A_29 = arith.constant 1536 : i32
    %select_n3A_30 = arith.select %eq3A_19, %jit3A_29, %select_n3A_28 : i32
    %eq3A_31 = arith.constant 0 : i32
    %eq3A_32 = arith.cmpi eq, %select_n3A, %eq3A_31 : i32
    %eq3A_33 = arith.constant 1 : i32
    %eq3A_34 = arith.cmpi eq, %select_n3A, %eq3A_33 : i32
    %eq3A_35 = arith.constant 2 : i32
    %eq3A_36 = arith.cmpi eq, %select_n3A, %eq3A_35 : i32
    %jit3A_37 = arith.constant 256 : i32
    %jit3A_38 = arith.constant 256 : i32
    %select_n3A_39 = arith.select %eq3A_36, %jit3A_37, %jit3A_38 : i32
    %jit3A_40 = arith.constant 256 : i32
    %select_n3A_41 = arith.select %eq3A_34, %jit3A_40, %select_n3A_39 : i32
    %jit3A_42 = arith.constant 128 : i32
    %select_n3A_43 = arith.select %eq3A_32, %jit3A_42, %select_n3A_41 : i32
    %eq3A_44 = arith.constant 0 : i32
    %eq3A_45 = arith.cmpi eq, %select_n3A, %eq3A_44 : i32
    %eq3A_46 = arith.constant 1 : i32
    %eq3A_47 = arith.cmpi eq, %select_n3A, %eq3A_46 : i32
    %eq3A_48 = arith.constant 2 : i32
    %eq3A_49 = arith.cmpi eq, %select_n3A, %eq3A_48 : i32
    %jit3A_50 = arith.constant 16 : i32
    %jit3A_51 = arith.constant 16 : i32
    %select_n3A_52 = arith.select %eq3A_49, %jit3A_50, %jit3A_51 : i32
    %jit3A_53 = arith.constant 8 : i32
    %select_n3A_54 = arith.select %eq3A_47, %jit3A_53, %select_n3A_52 : i32
    %jit3A_55 = arith.constant 8 : i32
    %select_n3A_56 = arith.select %eq3A_45, %jit3A_55, %select_n3A_54 : i32
    %mul3A_57 = arith.constant 4096 : i32
    %mul3A_58 = arith.muli %select_n3A, %mul3A_57 : i32
    %iota3A = tpu.iota {dimensions = array<i32: 0>} : vector<16xi32>
    %add3A_59 = arith.constant 0 : i32
    %add3A_60 = arith.addi %mul3A_2, %add3A_59 : i32
    %add3A_61 = arith.constant 0 : i32
    %add3A_62 = arith.addi %add3A_60, %add3A_61 : i32
    %add3A_63 = vector.broadcast %add3A_62 : i32 to vector<16xi32>
    %add3A_64 = arith.addi %add3A_63, %iota3A : vector<16xi32>
    %and3A_65 = arith.constant 2047 : i32
    %and3A_66 = vector.broadcast %and3A_65 : i32 to vector<16xi32>
    %and3A_67 = arith.andi %add3A_64, %and3A_66 : vector<16xi32>
    %shift_right_arithmetic3A = arith.constant 3 : i32
    %shift_right_arithmetic3A_68 = vector.broadcast %shift_right_arithmetic3A : i32 to vector<16xi32>
    %shift_right_arithmetic3A_69 = arith.shrsi %and3A_67, %shift_right_arithmetic3A_68 : vector<16xi32>
    %and3A_70 = arith.constant 7 : i32
    %and3A_71 = vector.broadcast %and3A_70 : i32 to vector<16xi32>
    %and3A_72 = arith.andi %and3A_67, %and3A_71 : vector<16xi32>
    %add3A_73 = arith.addi %mul3A_58, %select_n3A_30 : i32
    %shift_right_arithmetic3A_74 = arith.constant 4 : i32
    %shift_right_arithmetic3A_75 = vector.broadcast %shift_right_arithmetic3A_74 : i32 to vector<16xi32>
    %shift_right_arithmetic3A_76 = arith.shrsi %shift_right_arithmetic3A_69, %shift_right_arithmetic3A_75 : vector<16xi32>
    %mul3A_77 = vector.broadcast %select_n3A_43 : i32 to vector<16xi32>
    %mul3A_78 = arith.muli %shift_right_arithmetic3A_76, %mul3A_77 : vector<16xi32>
    %add3A_79 = vector.broadcast %add3A_73 : i32 to vector<16xi32>
    %add3A_80 = arith.addi %add3A_79, %mul3A_78 : vector<16xi32>
    %and3A_81 = arith.constant 15 : i32
    %and3A_82 = vector.broadcast %and3A_81 : i32 to vector<16xi32>
    %and3A_83 = arith.andi %shift_right_arithmetic3A_69, %and3A_82 : vector<16xi32>
    %mul3A_84 = vector.broadcast %select_n3A_56 : i32 to vector<16xi32>
    %mul3A_85 = arith.muli %and3A_83, %mul3A_84 : vector<16xi32>
    %add3A_86 = arith.addi %add3A_80, %mul3A_85 : vector<16xi32>
    %add3A_87 = arith.addi %add3A_86, %and3A_72 : vector<16xi32>
    %swap3A = arith.constant 0 : index
    %swap3A_88 = tpu.vector_load %arg4[%swap3A] {strides = array<i32>} : memref<256xi32, #tpu.memory_space<vmem>>, vector<16xi32>,
    %swap3A_89 = vector.shape_cast %swap3A_88 : vector<16xi32> to vector<16xi32>
    %swap3A_90 = vector.shape_cast %add3A_87 : vector<16xi32> to vector<16xi32>
    tpu.vector_store %arg4[%swap3A], %swap3A_90 {strides = array<i32>} : memref<256xi32, #tpu.memory_space<vmem>>, vector<16xi32>,
    %add3A_91 = arith.constant 0 : i32
    %add3A_92 = arith.addi %mul3A_2, %add3A_91 : i32
    %add3A_93 = arith.constant 16 : i32
    %add3A_94 = arith.addi %add3A_92, %add3A_93 : i32
    %add3A_95 = vector.broadcast %add3A_94 : i32 to vector<16xi32>
    %add3A_96 = arith.addi %add3A_95, %iota3A : vector<16xi32>
    %and3A_97 = arith.constant 2047 : i32
    %and3A_98 = vector.broadcast %and3A_97 : i32 to vector<16xi32>
    %and3A_99 = arith.andi %add3A_96, %and3A_98 : vector<16xi32>
    %shift_right_arithmetic3A_100 = arith.constant 3 : i32
    %shift_right_arithmetic3A_101 = vector.broadcast %shift_right_arithmetic3A_100 : i32 to vector<16xi32>
    %shift_right_arithmetic3A_102 = arith.shrsi %and3A_99, %shift_right_arithmetic3A_101 : vector<16xi32>
    %and3A_103 = arith.constant 7 : i32
    %and3A_104 = vector.broadcast %and3A_103 : i32 to vector<16xi32>
    %and3A_105 = arith.andi %and3A_99, %and3A_104 : vector<16xi32>
    %add3A_106 = arith.addi %mul3A_58, %select_n3A_30 : i32
    %shift_right_arithmetic3A_107 = arith.constant 4 : i32
    %shift_right_arithmetic3A_108 = vector.broadcast %shift_right_arithmetic3A_107 : i32 to vector<16xi32>
    %shift_right_arithmetic3A_109 = arith.shrsi %shift_right_arithmetic3A_102, %shift_right_arithmetic3A_108 : vector<16xi32>
    %mul3A_110 = vector.broadcast %select_n3A_43 : i32 to vector<16xi32>
    %mul3A_111 = arith.muli %shift_right_arithmetic3A_109, %mul3A_110 : vector<16xi32>
    %add3A_112 = vector.broadcast %add3A_106 : i32 to vector<16xi32>
    %add3A_113 = arith.addi %add3A_112, %mul3A_111 : vector<16xi32>
    %and3A_114 = arith.constant 15 : i32
    %and3A_115 = vector.broadcast %and3A_114 : i32 to vector<16xi32>
    %and3A_116 = arith.andi %shift_right_arithmetic3A_102, %and3A_115 : vector<16xi32>
    %mul3A_117 = vector.broadcast %select_n3A_56 : i32 to vector<16xi32>
    %mul3A_118 = arith.muli %and3A_116, %mul3A_117 : vector<16xi32>
    %add3A_119 = arith.addi %add3A_113, %mul3A_118 : vector<16xi32>
    %add3A_120 = arith.addi %add3A_119, %and3A_105 : vector<16xi32>
    %swap3A_121 = arith.constant 16 : index
    %swap3A_122 = tpu.vector_load %arg4[%swap3A_121] {strides = array<i32>} : memref<256xi32, #tpu.memory_space<vmem>>, vector<16xi32>,
    %swap3A_123 = vector.shape_cast %swap3A_122 : vector<16xi32> to vector<16xi32>
    %swap3A_124 = vector.shape_cast %add3A_120 : vector<16xi32> to vector<16xi32>
    tpu.vector_store %arg4[%swap3A_121], %swap3A_124 {strides = array<i32>} : memref<256xi32, #tpu.memory_space<vmem>>, vector<16xi32>,
    %add3A_125 = arith.constant 32 : i32
    %add3A_126 = arith.addi %mul3A_2, %add3A_125 : i32
    %add3A_127 = arith.constant 0 : i32
    %add3A_128 = arith.addi %add3A_126, %add3A_127 : i32
    %add3A_129 = vector.broadcast %add3A_128 : i32 to vector<16xi32>
    %add3A_130 = arith.addi %add3A_129, %iota3A : vector<16xi32>
    %and3A_131 = arith.constant 2047 : i32
    %and3A_132 = vector.broadcast %and3A_131 : i32 to vector<16xi32>
    %and3A_133 = arith.andi %add3A_130, %and3A_132 : vector<16xi32>
    %shift_right_arithmetic3A_134 = arith.constant 3 : i32
    %shift_right_arithmetic3A_135 = vector.broadcast %shift_right_arithmetic3A_134 : i32 to vector<16xi32>
    %shift_right_arithmetic3A_136 = arith.shrsi %and3A_133, %shift_right_arithmetic3A_135 : vector<16xi32>
    %and3A_137 = arith.constant 7 : i32
    %and3A_138 = vector.broadcast %and3A_137 : i32 to vector<16xi32>
    %and3A_139 = arith.andi %and3A_133, %and3A_138 : vector<16xi32>
    %add3A_140 = arith.addi %mul3A_58, %select_n3A_30 : i32
    %shift_right_arithmetic3A_141 = arith.constant 4 : i32
    %shift_right_arithmetic3A_142 = vector.broadcast %shift_right_arithmetic3A_141 : i32 to vector<16xi32>
    %shift_right_arithmetic3A_143 = arith.shrsi %shift_right_arithmetic3A_136, %shift_right_arithmetic3A_142 : vector<16xi32>
    %mul3A_144 = vector.broadcast %select_n3A_43 : i32 to vector<16xi32>
    %mul3A_145 = arith.muli %shift_right_arithmetic3A_143, %mul3A_144 : vector<16xi32>
    %add3A_146 = vector.broadcast %add3A_140 : i32 to vector<16xi32>
    %add3A_147 = arith.addi %add3A_146, %mul3A_145 : vector<16xi32>
    %and3A_148 = arith.constant 15 : i32
    %and3A_149 = vector.broadcast %and3A_148 : i32 to vector<16xi32>
    %and3A_150 = arith.andi %shift_right_arithmetic3A_136, %and3A_149 : vector<16xi32>
    %mul3A_151 = vector.broadcast %select_n3A_56 : i32 to vector<16xi32>
    %mul3A_152 = arith.muli %and3A_150, %mul3A_151 : vector<16xi32>
    %add3A_153 = arith.addi %add3A_147, %mul3A_152 : vector<16xi32>
    %add3A_154 = arith.addi %add3A_153, %and3A_139 : vector<16xi32>
    %swap3A_155 = arith.constant 32 : index
    %swap3A_156 = tpu.vector_load %arg4[%swap3A_155] {strides = array<i32>} : memref<256xi32, #tpu.memory_space<vmem>>, vector<16xi32>,
    %swap3A_157 = vector.shape_cast %swap3A_156 : vector<16xi32> to vector<16xi32>
    %swap3A_158 = vector.shape_cast %add3A_154 : vector<16xi32> to vector<16xi32>
    tpu.vector_store %arg4[%swap3A_155], %swap3A_158 {strides = array<i32>} : memref<256xi32, #tpu.memory_space<vmem>>, vector<16xi32>,
    %add3A_159 = arith.constant 32 : i32
    %add3A_160 = arith.addi %mul3A_2, %add3A_159 : i32
    %add3A_161 = arith.constant 16 : i32
    %add3A_162 = arith.addi %add3A_160, %add3A_161 : i32
    %add3A_163 = vector.broadcast %add3A_162 : i32 to vector<16xi32>
    %add3A_164 = arith.addi %add3A_163, %iota3A : vector<16xi32>
    %and3A_165 = arith.constant 2047 : i32
    %and3A_166 = vector.broadcast %and3A_165 : i32 to vector<16xi32>
    %and3A_167 = arith.andi %add3A_164, %and3A_166 : vector<16xi32>
    %shift_right_arithmetic3A_168 = arith.constant 3 : i32
    %shift_right_arithmetic3A_169 = vector.broadcast %shift_right_arithmetic3A_168 : i32 to vector<16xi32>
    %shift_right_arithmetic3A_170 = arith.shrsi %and3A_167, %shift_right_arithmetic3A_169 : vector<16xi32>
    %and3A_171 = arith.constant 7 : i32
    %and3A_172 = vector.broadcast %and3A_171 : i32 to vector<16xi32>
    %and3A_173 = arith.andi %and3A_167, %and3A_172 : vector<16xi32>
    %add3A_174 = arith.addi %mul3A_58, %select_n3A_30 : i32
    %shift_right_arithmetic3A_175 = arith.constant 4 : i32
    %shift_right_arithmetic3A_176 = vector.broadcast %shift_right_arithmetic3A_175 : i32 to vector<16xi32>
    %shift_right_arithmetic3A_177 = arith.shrsi %shift_right_arithmetic3A_170, %shift_right_arithmetic3A_176 : vector<16xi32>
    %mul3A_178 = vector.broadcast %select_n3A_43 : i32 to vector<16xi32>
    %mul3A_179 = arith.muli %shift_right_arithmetic3A_177, %mul3A_178 : vector<16xi32>
    %add3A_180 = vector.broadcast %add3A_174 : i32 to vector<16xi32>
    %add3A_181 = arith.addi %add3A_180, %mul3A_179 : vector<16xi32>
    %and3A_182 = arith.constant 15 : i32
    %and3A_183 = vector.broadcast %and3A_182 : i32 to vector<16xi32>
    %and3A_184 = arith.andi %shift_right_arithmetic3A_170, %and3A_183 : vector<16xi32>
    %mul3A_185 = vector.broadcast %select_n3A_56 : i32 to vector<16xi32>
    %mul3A_186 = arith.muli %and3A_184, %mul3A_185 : vector<16xi32>
    %add3A_187 = arith.addi %add3A_181, %mul3A_186 : vector<16xi32>
    %add3A_188 = arith.addi %add3A_187, %and3A_173 : vector<16xi32>
    %swap3A_189 = arith.constant 48 : index
    %swap3A_190 = tpu.vector_load %arg4[%swap3A_189] {strides = array<i32>} : memref<256xi32, #tpu.memory_space<vmem>>, vector<16xi32>,
    %swap3A_191 = vector.shape_cast %swap3A_190 : vector<16xi32> to vector<16xi32>
    %swap3A_192 = vector.shape_cast %add3A_188 : vector<16xi32> to vector<16xi32>
    tpu.vector_store %arg4[%swap3A_189], %swap3A_192 {strides = array<i32>} : memref<256xi32, #tpu.memory_space<vmem>>, vector<16xi32>,
    %add3A_193 = arith.constant 64 : i32
    %add3A_194 = arith.addi %mul3A_2, %add3A_193 : i32
    %add3A_195 = arith.constant 0 : i32
    %add3A_196 = arith.addi %add3A_194, %add3A_195 : i32
    %add3A_197 = vector.broadcast %add3A_196 : i32 to vector<16xi32>
    %add3A_198 = arith.addi %add3A_197, %iota3A : vector<16xi32>
    %and3A_199 = arith.constant 2047 : i32
    %and3A_200 = vector.broadcast %and3A_199 : i32 to vector<16xi32>
    %and3A_201 = arith.andi %add3A_198, %and3A_200 : vector<16xi32>
    %shift_right_arithmetic3A_202 = arith.constant 3 : i32
    %shift_right_arithmetic3A_203 = vector.broadcast %shift_right_arithmetic3A_202 : i32 to vector<16xi32>
    %shift_right_arithmetic3A_204 = arith.shrsi %and3A_201, %shift_right_arithmetic3A_203 : vector<16xi32>
    %and3A_205 = arith.constant 7 : i32
    %and3A_206 = vector.broadcast %and3A_205 : i32 to vector<16xi32>
    %and3A_207 = arith.andi %and3A_201, %and3A_206 : vector<16xi32>
    %add3A_208 = arith.addi %mul3A_58, %select_n3A_30 : i32
    %shift_right_arithmetic3A_209 = arith.constant 4 : i32
    %shift_right_arithmetic3A_210 = vector.broadcast %shift_right_arithmetic3A_209 : i32 to vector<16xi32>
    %shift_right_arithmetic3A_211 = arith.shrsi %shift_right_arithmetic3A_204, %shift_right_arithmetic3A_210 : vector<16xi32>
    %mul3A_212 = vector.broadcast %select_n3A_43 : i32 to vector<16xi32>
    %mul3A_213 = arith.muli %shift_right_arithmetic3A_211, %mul3A_212 : vector<16xi32>
    %add3A_214 = vector.broadcast %add3A_208 : i32 to vector<16xi32>
    %add3A_215 = arith.addi %add3A_214, %mul3A_213 : vector<16xi32>
    %and3A_216 = arith.constant 15 : i32
    %and3A_217 = vector.broadcast %and3A_216 : i32 to vector<16xi32>
    %and3A_218 = arith.andi %shift_right_arithmetic3A_204, %and3A_217 : vector<16xi32>
    %mul3A_219 = vector.broadcast %select_n3A_56 : i32 to vector<16xi32>
    %mul3A_220 = arith.muli %and3A_218, %mul3A_219 : vector<16xi32>
    %add3A_221 = arith.addi %add3A_215, %mul3A_220 : vector<16xi32>
    %add3A_222 = arith.addi %add3A_221, %and3A_207 : vector<16xi32>
    %swap3A_223 = arith.constant 64 : index
    %swap3A_224 = tpu.vector_load %arg4[%swap3A_223] {strides = array<i32>} : memref<256xi32, #tpu.memory_space<vmem>>, vector<16xi32>,
    %swap3A_225 = vector.shape_cast %swap3A_224 : vector<16xi32> to vector<16xi32>
    %swap3A_226 = vector.shape_cast %add3A_222 : vector<16xi32> to vector<16xi32>
    tpu.vector_store %arg4[%swap3A_223], %swap3A_226 {strides = array<i32>} : memref<256xi32, #tpu.memory_space<vmem>>, vector<16xi32>,
    %add3A_227 = arith.constant 64 : i32
    %add3A_228 = arith.addi %mul3A_2, %add3A_227 : i32
    %add3A_229 = arith.constant 16 : i32
    %add3A_230 = arith.addi %add3A_228, %add3A_229 : i32
    %add3A_231 = vector.broadcast %add3A_230 : i32 to vector<16xi32>
    %add3A_232 = arith.addi %add3A_231, %iota3A : vector<16xi32>
    %and3A_233 = arith.constant 2047 : i32
    %and3A_234 = vector.broadcast %and3A_233 : i32 to vector<16xi32>
    %and3A_235 = arith.andi %add3A_232, %and3A_234 : vector<16xi32>
    %shift_right_arithmetic3A_236 = arith.constant 3 : i32
    %shift_right_arithmetic3A_237 = vector.broadcast %shift_right_arithmetic3A_236 : i32 to vector<16xi32>
    %shift_right_arithmetic3A_238 = arith.shrsi %and3A_235, %shift_right_arithmetic3A_237 : vector<16xi32>
    %and3A_239 = arith.constant 7 : i32
    %and3A_240 = vector.broadcast %and3A_239 : i32 to vector<16xi32>
    %and3A_241 = arith.andi %and3A_235, %and3A_240 : vector<16xi32>
    %add3A_242 = arith.addi %mul3A_58, %select_n3A_30 : i32
    %shift_right_arithmetic3A_243 = arith.constant 4 : i32
    %shift_right_arithmetic3A_244 = vector.broadcast %shift_right_arithmetic3A_243 : i32 to vector<16xi32>
    %shift_right_arithmetic3A_245 = arith.shrsi %shift_right_arithmetic3A_238, %shift_right_arithmetic3A_244 : vector<16xi32>
    %mul3A_246 = vector.broadcast %select_n3A_43 : i32 to vector<16xi32>
    %mul3A_247 = arith.muli %shift_right_arithmetic3A_245, %mul3A_246 : vector<16xi32>
    %add3A_248 = vector.broadcast %add3A_242 : i32 to vector<16xi32>
    %add3A_249 = arith.addi %add3A_248, %mul3A_247 : vector<16xi32>
    %and3A_250 = arith.constant 15 : i32
    %and3A_251 = vector.broadcast %and3A_250 : i32 to vector<16xi32>
    %and3A_252 = arith.andi %shift_right_arithmetic3A_238, %and3A_251 : vector<16xi32>
    %mul3A_253 = vector.broadcast %select_n3A_56 : i32 to vector<16xi32>
    %mul3A_254 = arith.muli %and3A_252, %mul3A_253 : vector<16xi32>
    %add3A_255 = arith.addi %add3A_249, %mul3A_254 : vector<16xi32>
    %add3A_256 = arith.addi %add3A_255, %and3A_241 : vector<16xi32>
    %swap3A_257 = arith.constant 80 : index
    %swap3A_258 = tpu.vector_load %arg4[%swap3A_257] {strides = array<i32>} : memref<256xi32, #tpu.memory_space<vmem>>, vector<16xi32>,
    %swap3A_259 = vector.shape_cast %swap3A_258 : vector<16xi32> to vector<16xi32>
    %swap3A_260 = vector.shape_cast %add3A_256 : vector<16xi32> to vector<16xi32>
    tpu.vector_store %arg4[%swap3A_257], %swap3A_260 {strides = array<i32>} : memref<256xi32, #tpu.memory_space<vmem>>, vector<16xi32>,
    %add3A_261 = arith.constant 96 : i32
    %add3A_262 = arith.addi %mul3A_2, %add3A_261 : i32
    %add3A_263 = arith.constant 0 : i32
    %add3A_264 = arith.addi %add3A_262, %add3A_263 : i32
    %add3A_265 = vector.broadcast %add3A_264 : i32 to vector<16xi32>
    %add3A_266 = arith.addi %add3A_265, %iota3A : vector<16xi32>
    %and3A_267 = arith.constant 2047 : i32
    %and3A_268 = vector.broadcast %and3A_267 : i32 to vector<16xi32>
    %and3A_269 = arith.andi %add3A_266, %and3A_268 : vector<16xi32>
    %shift_right_arithmetic3A_270 = arith.constant 3 : i32
    %shift_right_arithmetic3A_271 = vector.broadcast %shift_right_arithmetic3A_270 : i32 to vector<16xi32>
    %shift_right_arithmetic3A_272 = arith.shrsi %and3A_269, %shift_right_arithmetic3A_271 : vector<16xi32>
    %and3A_273 = arith.constant 7 : i32
    %and3A_274 = vector.broadcast %and3A_273 : i32 to vector<16xi32>
    %and3A_275 = arith.andi %and3A_269, %and3A_274 : vector<16xi32>
    %add3A_276 = arith.addi %mul3A_58, %select_n3A_30 : i32
    %shift_right_arithmetic3A_277 = arith.constant 4 : i32
    %shift_right_arithmetic3A_278 = vector.broadcast %shift_right_arithmetic3A_277 : i32 to vector<16xi32>
    %shift_right_arithmetic3A_279 = arith.shrsi %shift_right_arithmetic3A_272, %shift_right_arithmetic3A_278 : vector<16xi32>
    %mul3A_280 = vector.broadcast %select_n3A_43 : i32 to vector<16xi32>
    %mul3A_281 = arith.muli %shift_right_arithmetic3A_279, %mul3A_280 : vector<16xi32>
    %add3A_282 = vector.broadcast %add3A_276 : i32 to vector<16xi32>
    %add3A_283 = arith.addi %add3A_282, %mul3A_281 : vector<16xi32>
    %and3A_284 = arith.constant 15 : i32
    %and3A_285 = vector.broadcast %and3A_284 : i32 to vector<16xi32>
    %and3A_286 = arith.andi %shift_right_arithmetic3A_272, %and3A_285 : vector<16xi32>
    %mul3A_287 = vector.broadcast %select_n3A_56 : i32 to vector<16xi32>
    %mul3A_288 = arith.muli %and3A_286, %mul3A_287 : vector<16xi32>
    %add3A_289 = arith.addi %add3A_283, %mul3A_288 : vector<16xi32>
    %add3A_290 = arith.addi %add3A_289, %and3A_275 : vector<16xi32>
    %swap3A_291 = arith.constant 96 : index
    %swap3A_292 = tpu.vector_load %arg4[%swap3A_291] {strides = array<i32>} : memref<256xi32, #tpu.memory_space<vmem>>, vector<16xi32>,
    %swap3A_293 = vector.shape_cast %swap3A_292 : vector<16xi32> to vector<16xi32>
    %swap3A_294 = vector.shape_cast %add3A_290 : vector<16xi32> to vector<16xi32>
    tpu.vector_store %arg4[%swap3A_291], %swap3A_294 {strides = array<i32>} : memref<256xi32, #tpu.memory_space<vmem>>, vector<16xi32>,
    %add3A_295 = arith.constant 96 : i32
    %add3A_296 = arith.addi %mul3A_2, %add3A_295 : i32
    %add3A_297 = arith.constant 16 : i32
    %add3A_298 = arith.addi %add3A_296, %add3A_297 : i32
    %add3A_299 = vector.broadcast %add3A_298 : i32 to vector<16xi32>
    %add3A_300 = arith.addi %add3A_299, %iota3A : vector<16xi32>
    %and3A_301 = arith.constant 2047 : i32
    %and3A_302 = vector.broadcast %and3A_301 : i32 to vector<16xi32>
    %and3A_303 = arith.andi %add3A_300, %and3A_302 : vector<16xi32>
    %shift_right_arithmetic3A_304 = arith.constant 3 : i32
    %shift_right_arithmetic3A_305 = vector.broadcast %shift_right_arithmetic3A_304 : i32 to vector<16xi32>
    %shift_right_arithmetic3A_306 = arith.shrsi %and3A_303, %shift_right_arithmetic3A_305 : vector<16xi32>
    %and3A_307 = arith.constant 7 : i32
    %and3A_308 = vector.broadcast %and3A_307 : i32 to vector<16xi32>
    %and3A_309 = arith.andi %and3A_303, %and3A_308 : vector<16xi32>
    %add3A_310 = arith.addi %mul3A_58, %select_n3A_30 : i32
    %shift_right_arithmetic3A_311 = arith.constant 4 : i32
    %shift_right_arithmetic3A_312 = vector.broadcast %shift_right_arithmetic3A_311 : i32 to vector<16xi32>
    %shift_right_arithmetic3A_313 = arith.shrsi %shift_right_arithmetic3A_306, %shift_right_arithmetic3A_312 : vector<16xi32>
    %mul3A_314 = vector.broadcast %select_n3A_43 : i32 to vector<16xi32>
    %mul3A_315 = arith.muli %shift_right_arithmetic3A_313, %mul3A_314 : vector<16xi32>
    %add3A_316 = vector.broadcast %add3A_310 : i32 to vector<16xi32>
    %add3A_317 = arith.addi %add3A_316, %mul3A_315 : vector<16xi32>
    %and3A_318 = arith.constant 15 : i32
    %and3A_319 = vector.broadcast %and3A_318 : i32 to vector<16xi32>
    %and3A_320 = arith.andi %shift_right_arithmetic3A_306, %and3A_319 : vector<16xi32>
    %mul3A_321 = vector.broadcast %select_n3A_56 : i32 to vector<16xi32>
    %mul3A_322 = arith.muli %and3A_320, %mul3A_321 : vector<16xi32>
    %add3A_323 = arith.addi %add3A_317, %mul3A_322 : vector<16xi32>
    %add3A_324 = arith.addi %add3A_323, %and3A_309 : vector<16xi32>
    %swap3A_325 = arith.constant 112 : index
    %swap3A_326 = tpu.vector_load %arg4[%swap3A_325] {strides = array<i32>} : memref<256xi32, #tpu.memory_space<vmem>>, vector<16xi32>,
    %swap3A_327 = vector.shape_cast %swap3A_326 : vector<16xi32> to vector<16xi32>
    %swap3A_328 = vector.shape_cast %add3A_324 : vector<16xi32> to vector<16xi32>
    tpu.vector_store %arg4[%swap3A_325], %swap3A_328 {strides = array<i32>} : memref<256xi32, #tpu.memory_space<vmem>>, vector<16xi32>,
    %add3A_329 = arith.constant 128 : i32
    %add3A_330 = arith.addi %mul3A_2, %add3A_329 : i32
    %add3A_331 = arith.constant 0 : i32
    %add3A_332 = arith.addi %add3A_330, %add3A_331 : i32
    %add3A_333 = vector.broadcast %add3A_332 : i32 to vector<16xi32>
    %add3A_334 = arith.addi %add3A_333, %iota3A : vector<16xi32>
    %and3A_335 = arith.constant 2047 : i32
    %and3A_336 = vector.broadcast %and3A_335 : i32 to vector<16xi32>
    %and3A_337 = arith.andi %add3A_334, %and3A_336 : vector<16xi32>
    %shift_right_arithmetic3A_338 = arith.constant 3 : i32
    %shift_right_arithmetic3A_339 = vector.broadcast %shift_right_arithmetic3A_338 : i32 to vector<16xi32>
    %shift_right_arithmetic3A_340 = arith.shrsi %and3A_337, %shift_right_arithmetic3A_339 : vector<16xi32>
    %and3A_341 = arith.constant 7 : i32
    %and3A_342 = vector.broadcast %and3A_341 : i32 to vector<16xi32>
    %and3A_343 = arith.andi %and3A_337, %and3A_342 : vector<16xi32>
    %add3A_344 = arith.addi %mul3A_58, %select_n3A_30 : i32
    %shift_right_arithmetic3A_345 = arith.constant 4 : i32
    %shift_right_arithmetic3A_346 = vector.broadcast %shift_right_arithmetic3A_345 : i32 to vector<16xi32>
    %shift_right_arithmetic3A_347 = arith.shrsi %shift_right_arithmetic3A_340, %shift_right_arithmetic3A_346 : vector<16xi32>
    %mul3A_348 = vector.broadcast %select_n3A_43 : i32 to vector<16xi32>
    %mul3A_349 = arith.muli %shift_right_arithmetic3A_347, %mul3A_348 : vector<16xi32>
    %add3A_350 = vector.broadcast %add3A_344 : i32 to vector<16xi32>
    %add3A_351 = arith.addi %add3A_350, %mul3A_349 : vector<16xi32>
    %and3A_352 = arith.constant 15 : i32
    %and3A_353 = vector.broadcast %and3A_352 : i32 to vector<16xi32>
    %and3A_354 = arith.andi %shift_right_arithmetic3A_340, %and3A_353 : vector<16xi32>
    %mul3A_355 = vector.broadcast %select_n3A_56 : i32 to vector<16xi32>
    %mul3A_356 = arith.muli %and3A_354, %mul3A_355 : vector<16xi32>
    %add3A_357 = arith.addi %add3A_351, %mul3A_356 : vector<16xi32>
    %add3A_358 = arith.addi %add3A_357, %and3A_343 : vector<16xi32>
    %swap3A_359 = arith.constant 128 : index
    %swap3A_360 = tpu.vector_load %arg4[%swap3A_359] {strides = array<i32>} : memref<256xi32, #tpu.memory_space<vmem>>, vector<16xi32>,
    %swap3A_361 = vector.shape_cast %swap3A_360 : vector<16xi32> to vector<16xi32>
    %swap3A_362 = vector.shape_cast %add3A_358 : vector<16xi32> to vector<16xi32>
    tpu.vector_store %arg4[%swap3A_359], %swap3A_362 {strides = array<i32>} : memref<256xi32, #tpu.memory_space<vmem>>, vector<16xi32>,
    %add3A_363 = arith.constant 128 : i32
    %add3A_364 = arith.addi %mul3A_2, %add3A_363 : i32
    %add3A_365 = arith.constant 16 : i32
    %add3A_366 = arith.addi %add3A_364, %add3A_365 : i32
    %add3A_367 = vector.broadcast %add3A_366 : i32 to vector<16xi32>
    %add3A_368 = arith.addi %add3A_367, %iota3A : vector<16xi32>
    %and3A_369 = arith.constant 2047 : i32
    %and3A_370 = vector.broadcast %and3A_369 : i32 to vector<16xi32>
    %and3A_371 = arith.andi %add3A_368, %and3A_370 : vector<16xi32>
    %shift_right_arithmetic3A_372 = arith.constant 3 : i32
    %shift_right_arithmetic3A_373 = vector.broadcast %shift_right_arithmetic3A_372 : i32 to vector<16xi32>
    %shift_right_arithmetic3A_374 = arith.shrsi %and3A_371, %shift_right_arithmetic3A_373 : vector<16xi32>
    %and3A_375 = arith.constant 7 : i32
    %and3A_376 = vector.broadcast %and3A_375 : i32 to vector<16xi32>
    %and3A_377 = arith.andi %and3A_371, %and3A_376 : vector<16xi32>
    %add3A_378 = arith.addi %mul3A_58, %select_n3A_30 : i32
    %shift_right_arithmetic3A_379 = arith.constant 4 : i32
    %shift_right_arithmetic3A_380 = vector.broadcast %shift_right_arithmetic3A_379 : i32 to vector<16xi32>
    %shift_right_arithmetic3A_381 = arith.shrsi %shift_right_arithmetic3A_374, %shift_right_arithmetic3A_380 : vector<16xi32>
    %mul3A_382 = vector.broadcast %select_n3A_43 : i32 to vector<16xi32>
    %mul3A_383 = arith.muli %shift_right_arithmetic3A_381, %mul3A_382 : vector<16xi32>
    %add3A_384 = vector.broadcast %add3A_378 : i32 to vector<16xi32>
    %add3A_385 = arith.addi %add3A_384, %mul3A_383 : vector<16xi32>
    %and3A_386 = arith.constant 15 : i32
    %and3A_387 = vector.broadcast %and3A_386 : i32 to vector<16xi32>
    %and3A_388 = arith.andi %shift_right_arithmetic3A_374, %and3A_387 : vector<16xi32>
    %mul3A_389 = vector.broadcast %select_n3A_56 : i32 to vector<16xi32>
    %mul3A_390 = arith.muli %and3A_388, %mul3A_389 : vector<16xi32>
    %add3A_391 = arith.addi %add3A_385, %mul3A_390 : vector<16xi32>
    %add3A_392 = arith.addi %add3A_391, %and3A_377 : vector<16xi32>
    %swap3A_393 = arith.constant 144 : index
    %swap3A_394 = tpu.vector_load %arg4[%swap3A_393] {strides = array<i32>} : memref<256xi32, #tpu.memory_space<vmem>>, vector<16xi32>,
    %swap3A_395 = vector.shape_cast %swap3A_394 : vector<16xi32> to vector<16xi32>
    %swap3A_396 = vector.shape_cast %add3A_392 : vector<16xi32> to vector<16xi32>
    tpu.vector_store %arg4[%swap3A_393], %swap3A_396 {strides = array<i32>} : memref<256xi32, #tpu.memory_space<vmem>>, vector<16xi32>,
    %add3A_397 = arith.constant 160 : i32
    %add3A_398 = arith.addi %mul3A_2, %add3A_397 : i32
    %add3A_399 = arith.constant 0 : i32
    %add3A_400 = arith.addi %add3A_398, %add3A_399 : i32
    %add3A_401 = vector.broadcast %add3A_400 : i32 to vector<16xi32>
    %add3A_402 = arith.addi %add3A_401, %iota3A : vector<16xi32>
    %and3A_403 = arith.constant 2047 : i32
    %and3A_404 = vector.broadcast %and3A_403 : i32 to vector<16xi32>
    %and3A_405 = arith.andi %add3A_402, %and3A_404 : vector<16xi32>
    %shift_right_arithmetic3A_406 = arith.constant 3 : i32
    %shift_right_arithmetic3A_407 = vector.broadcast %shift_right_arithmetic3A_406 : i32 to vector<16xi32>
    %shift_right_arithmetic3A_408 = arith.shrsi %and3A_405, %shift_right_arithmetic3A_407 : vector<16xi32>
    %and3A_409 = arith.constant 7 : i32
    %and3A_410 = vector.broadcast %and3A_409 : i32 to vector<16xi32>
    %and3A_411 = arith.andi %and3A_405, %and3A_410 : vector<16xi32>
    %add3A_412 = arith.addi %mul3A_58, %select_n3A_30 : i32
    %shift_right_arithmetic3A_413 = arith.constant 4 : i32
    %shift_right_arithmetic3A_414 = vector.broadcast %shift_right_arithmetic3A_413 : i32 to vector<16xi32>
    %shift_right_arithmetic3A_415 = arith.shrsi %shift_right_arithmetic3A_408, %shift_right_arithmetic3A_414 : vector<16xi32>
    %mul3A_416 = vector.broadcast %select_n3A_43 : i32 to vector<16xi32>
    %mul3A_417 = arith.muli %shift_right_arithmetic3A_415, %mul3A_416 : vector<16xi32>
    %add3A_418 = vector.broadcast %add3A_412 : i32 to vector<16xi32>
    %add3A_419 = arith.addi %add3A_418, %mul3A_417 : vector<16xi32>
    %and3A_420 = arith.constant 15 : i32
    %and3A_421 = vector.broadcast %and3A_420 : i32 to vector<16xi32>
    %and3A_422 = arith.andi %shift_right_arithmetic3A_408, %and3A_421 : vector<16xi32>
    %mul3A_423 = vector.broadcast %select_n3A_56 : i32 to vector<16xi32>
    %mul3A_424 = arith.muli %and3A_422, %mul3A_423 : vector<16xi32>
    %add3A_425 = arith.addi %add3A_419, %mul3A_424 : vector<16xi32>
    %add3A_426 = arith.addi %add3A_425, %and3A_411 : vector<16xi32>
    %swap3A_427 = arith.constant 160 : index
    %swap3A_428 = tpu.vector_load %arg4[%swap3A_427] {strides = array<i32>} : memref<256xi32, #tpu.memory_space<vmem>>, vector<16xi32>,
    %swap3A_429 = vector.shape_cast %swap3A_428 : vector<16xi32> to vector<16xi32>
    %swap3A_430 = vector.shape_cast %add3A_426 : vector<16xi32> to vector<16xi32>
    tpu.vector_store %arg4[%swap3A_427], %swap3A_430 {strides = array<i32>} : memref<256xi32, #tpu.memory_space<vmem>>, vector<16xi32>,
    %add3A_431 = arith.constant 160 : i32
    %add3A_432 = arith.addi %mul3A_2, %add3A_431 : i32
    %add3A_433 = arith.constant 16 : i32
    %add3A_434 = arith.addi %add3A_432, %add3A_433 : i32
    %add3A_435 = vector.broadcast %add3A_434 : i32 to vector<16xi32>
    %add3A_436 = arith.addi %add3A_435, %iota3A : vector<16xi32>
    %and3A_437 = arith.constant 2047 : i32
    %and3A_438 = vector.broadcast %and3A_437 : i32 to vector<16xi32>
    %and3A_439 = arith.andi %add3A_436, %and3A_438 : vector<16xi32>
    %shift_right_arithmetic3A_440 = arith.constant 3 : i32
    %shift_right_arithmetic3A_441 = vector.broadcast %shift_right_arithmetic3A_440 : i32 to vector<16xi32>
    %shift_right_arithmetic3A_442 = arith.shrsi %and3A_439, %shift_right_arithmetic3A_441 : vector<16xi32>
    %and3A_443 = arith.constant 7 : i32
    %and3A_444 = vector.broadcast %and3A_443 : i32 to vector<16xi32>
    %and3A_445 = arith.andi %and3A_439, %and3A_444 : vector<16xi32>
    %add3A_446 = arith.addi %mul3A_58, %select_n3A_30 : i32
    %shift_right_arithmetic3A_447 = arith.constant 4 : i32
    %shift_right_arithmetic3A_448 = vector.broadcast %shift_right_arithmetic3A_447 : i32 to vector<16xi32>
    %shift_right_arithmetic3A_449 = arith.shrsi %shift_right_arithmetic3A_442, %shift_right_arithmetic3A_448 : vector<16xi32>
    %mul3A_450 = vector.broadcast %select_n3A_43 : i32 to vector<16xi32>
    %mul3A_451 = arith.muli %shift_right_arithmetic3A_449, %mul3A_450 : vector<16xi32>
    %add3A_452 = vector.broadcast %add3A_446 : i32 to vector<16xi32>
    %add3A_453 = arith.addi %add3A_452, %mul3A_451 : vector<16xi32>
    %and3A_454 = arith.constant 15 : i32
    %and3A_455 = vector.broadcast %and3A_454 : i32 to vector<16xi32>
    %and3A_456 = arith.andi %shift_right_arithmetic3A_442, %and3A_455 : vector<16xi32>
    %mul3A_457 = vector.broadcast %select_n3A_56 : i32 to vector<16xi32>
    %mul3A_458 = arith.muli %and3A_456, %mul3A_457 : vector<16xi32>
    %add3A_459 = arith.addi %add3A_453, %mul3A_458 : vector<16xi32>
    %add3A_460 = arith.addi %add3A_459, %and3A_445 : vector<16xi32>
    %swap3A_461 = arith.constant 176 : index
    %swap3A_462 = tpu.vector_load %arg4[%swap3A_461] {strides = array<i32>} : memref<256xi32, #tpu.memory_space<vmem>>, vector<16xi32>,
    %swap3A_463 = vector.shape_cast %swap3A_462 : vector<16xi32> to vector<16xi32>
    %swap3A_464 = vector.shape_cast %add3A_460 : vector<16xi32> to vector<16xi32>
    tpu.vector_store %arg4[%swap3A_461], %swap3A_464 {strides = array<i32>} : memref<256xi32, #tpu.memory_space<vmem>>, vector<16xi32>,
    %add3A_465 = arith.constant 192 : i32
    %add3A_466 = arith.addi %mul3A_2, %add3A_465 : i32
    %add3A_467 = arith.constant 0 : i32
    %add3A_468 = arith.addi %add3A_466, %add3A_467 : i32
    %add3A_469 = vector.broadcast %add3A_468 : i32 to vector<16xi32>
    %add3A_470 = arith.addi %add3A_469, %iota3A : vector<16xi32>
    %and3A_471 = arith.constant 2047 : i32
    %and3A_472 = vector.broadcast %and3A_471 : i32 to vector<16xi32>
    %and3A_473 = arith.andi %add3A_470, %and3A_472 : vector<16xi32>
    %shift_right_arithmetic3A_474 = arith.constant 3 : i32
    %shift_right_arithmetic3A_475 = vector.broadcast %shift_right_arithmetic3A_474 : i32 to vector<16xi32>
    %shift_right_arithmetic3A_476 = arith.shrsi %and3A_473, %shift_right_arithmetic3A_475 : vector<16xi32>
    %and3A_477 = arith.constant 7 : i32
    %and3A_478 = vector.broadcast %and3A_477 : i32 to vector<16xi32>
    %and3A_479 = arith.andi %and3A_473, %and3A_478 : vector<16xi32>
    %add3A_480 = arith.addi %mul3A_58, %select_n3A_30 : i32
    %shift_right_arithmetic3A_481 = arith.constant 4 : i32
    %shift_right_arithmetic3A_482 = vector.broadcast %shift_right_arithmetic3A_481 : i32 to vector<16xi32>
    %shift_right_arithmetic3A_483 = arith.shrsi %shift_right_arithmetic3A_476, %shift_right_arithmetic3A_482 : vector<16xi32>
    %mul3A_484 = vector.broadcast %select_n3A_43 : i32 to vector<16xi32>
    %mul3A_485 = arith.muli %shift_right_arithmetic3A_483, %mul3A_484 : vector<16xi32>
    %add3A_486 = vector.broadcast %add3A_480 : i32 to vector<16xi32>
    %add3A_487 = arith.addi %add3A_486, %mul3A_485 : vector<16xi32>
    %and3A_488 = arith.constant 15 : i32
    %and3A_489 = vector.broadcast %and3A_488 : i32 to vector<16xi32>
    %and3A_490 = arith.andi %shift_right_arithmetic3A_476, %and3A_489 : vector<16xi32>
    %mul3A_491 = vector.broadcast %select_n3A_56 : i32 to vector<16xi32>
    %mul3A_492 = arith.muli %and3A_490, %mul3A_491 : vector<16xi32>
    %add3A_493 = arith.addi %add3A_487, %mul3A_492 : vector<16xi32>
    %add3A_494 = arith.addi %add3A_493, %and3A_479 : vector<16xi32>
    %swap3A_495 = arith.constant 192 : index
    %swap3A_496 = tpu.vector_load %arg4[%swap3A_495] {strides = array<i32>} : memref<256xi32, #tpu.memory_space<vmem>>, vector<16xi32>,
    %swap3A_497 = vector.shape_cast %swap3A_496 : vector<16xi32> to vector<16xi32>
    %swap3A_498 = vector.shape_cast %add3A_494 : vector<16xi32> to vector<16xi32>
    tpu.vector_store %arg4[%swap3A_495], %swap3A_498 {strides = array<i32>} : memref<256xi32, #tpu.memory_space<vmem>>, vector<16xi32>,
    %add3A_499 = arith.constant 192 : i32
    %add3A_500 = arith.addi %mul3A_2, %add3A_499 : i32
    %add3A_501 = arith.constant 16 : i32
    %add3A_502 = arith.addi %add3A_500, %add3A_501 : i32
    %add3A_503 = vector.broadcast %add3A_502 : i32 to vector<16xi32>
    %add3A_504 = arith.addi %add3A_503, %iota3A : vector<16xi32>
    %and3A_505 = arith.constant 2047 : i32
    %and3A_506 = vector.broadcast %and3A_505 : i32 to vector<16xi32>
    %and3A_507 = arith.andi %add3A_504, %and3A_506 : vector<16xi32>
    %shift_right_arithmetic3A_508 = arith.constant 3 : i32
    %shift_right_arithmetic3A_509 = vector.broadcast %shift_right_arithmetic3A_508 : i32 to vector<16xi32>
    %shift_right_arithmetic3A_510 = arith.shrsi %and3A_507, %shift_right_arithmetic3A_509 : vector<16xi32>
    %and3A_511 = arith.constant 7 : i32
    %and3A_512 = vector.broadcast %and3A_511 : i32 to vector<16xi32>
    %and3A_513 = arith.andi %and3A_507, %and3A_512 : vector<16xi32>
    %add3A_514 = arith.addi %mul3A_58, %select_n3A_30 : i32
    %shift_right_arithmetic3A_515 = arith.constant 4 : i32
    %shift_right_arithmetic3A_516 = vector.broadcast %shift_right_arithmetic3A_515 : i32 to vector<16xi32>
    %shift_right_arithmetic3A_517 = arith.shrsi %shift_right_arithmetic3A_510, %shift_right_arithmetic3A_516 : vector<16xi32>
    %mul3A_518 = vector.broadcast %select_n3A_43 : i32 to vector<16xi32>
    %mul3A_519 = arith.muli %shift_right_arithmetic3A_517, %mul3A_518 : vector<16xi32>
    %add3A_520 = vector.broadcast %add3A_514 : i32 to vector<16xi32>
    %add3A_521 = arith.addi %add3A_520, %mul3A_519 : vector<16xi32>
    %and3A_522 = arith.constant 15 : i32
    %and3A_523 = vector.broadcast %and3A_522 : i32 to vector<16xi32>
    %and3A_524 = arith.andi %shift_right_arithmetic3A_510, %and3A_523 : vector<16xi32>
    %mul3A_525 = vector.broadcast %select_n3A_56 : i32 to vector<16xi32>
    %mul3A_526 = arith.muli %and3A_524, %mul3A_525 : vector<16xi32>
    %add3A_527 = arith.addi %add3A_521, %mul3A_526 : vector<16xi32>
    %add3A_528 = arith.addi %add3A_527, %and3A_513 : vector<16xi32>
    %swap3A_529 = arith.constant 208 : index
    %swap3A_530 = tpu.vector_load %arg4[%swap3A_529] {strides = array<i32>} : memref<256xi32, #tpu.memory_space<vmem>>, vector<16xi32>,
    %swap3A_531 = vector.shape_cast %swap3A_530 : vector<16xi32> to vector<16xi32>
    %swap3A_532 = vector.shape_cast %add3A_528 : vector<16xi32> to vector<16xi32>
    tpu.vector_store %arg4[%swap3A_529], %swap3A_532 {strides = array<i32>} : memref<256xi32, #tpu.memory_space<vmem>>, vector<16xi32>,
    %add3A_533 = arith.constant 224 : i32
    %add3A_534 = arith.addi %mul3A_2, %add3A_533 : i32
    %add3A_535 = arith.constant 0 : i32
    %add3A_536 = arith.addi %add3A_534, %add3A_535 : i32
    %add3A_537 = vector.broadcast %add3A_536 : i32 to vector<16xi32>
    %add3A_538 = arith.addi %add3A_537, %iota3A : vector<16xi32>
    %and3A_539 = arith.constant 2047 : i32
    %and3A_540 = vector.broadcast %and3A_539 : i32 to vector<16xi32>
    %and3A_541 = arith.andi %add3A_538, %and3A_540 : vector<16xi32>
    %shift_right_arithmetic3A_542 = arith.constant 3 : i32
    %shift_right_arithmetic3A_543 = vector.broadcast %shift_right_arithmetic3A_542 : i32 to vector<16xi32>
    %shift_right_arithmetic3A_544 = arith.shrsi %and3A_541, %shift_right_arithmetic3A_543 : vector<16xi32>
    %and3A_545 = arith.constant 7 : i32
    %and3A_546 = vector.broadcast %and3A_545 : i32 to vector<16xi32>
    %and3A_547 = arith.andi %and3A_541, %and3A_546 : vector<16xi32>
    %add3A_548 = arith.addi %mul3A_58, %select_n3A_30 : i32
    %shift_right_arithmetic3A_549 = arith.constant 4 : i32
    %shift_right_arithmetic3A_550 = vector.broadcast %shift_right_arithmetic3A_549 : i32 to vector<16xi32>
    %shift_right_arithmetic3A_551 = arith.shrsi %shift_right_arithmetic3A_544, %shift_right_arithmetic3A_550 : vector<16xi32>
    %mul3A_552 = vector.broadcast %select_n3A_43 : i32 to vector<16xi32>
    %mul3A_553 = arith.muli %shift_right_arithmetic3A_551, %mul3A_552 : vector<16xi32>
    %add3A_554 = vector.broadcast %add3A_548 : i32 to vector<16xi32>
    %add3A_555 = arith.addi %add3A_554, %mul3A_553 : vector<16xi32>
    %and3A_556 = arith.constant 15 : i32
    %and3A_557 = vector.broadcast %and3A_556 : i32 to vector<16xi32>
    %and3A_558 = arith.andi %shift_right_arithmetic3A_544, %and3A_557 : vector<16xi32>
    %mul3A_559 = vector.broadcast %select_n3A_56 : i32 to vector<16xi32>
    %mul3A_560 = arith.muli %and3A_558, %mul3A_559 : vector<16xi32>
    %add3A_561 = arith.addi %add3A_555, %mul3A_560 : vector<16xi32>
    %add3A_562 = arith.addi %add3A_561, %and3A_547 : vector<16xi32>
    %swap3A_563 = arith.constant 224 : index
    %swap3A_564 = tpu.vector_load %arg4[%swap3A_563] {strides = array<i32>} : memref<256xi32, #tpu.memory_space<vmem>>, vector<16xi32>,
    %swap3A_565 = vector.shape_cast %swap3A_564 : vector<16xi32> to vector<16xi32>
    %swap3A_566 = vector.shape_cast %add3A_562 : vector<16xi32> to vector<16xi32>
    tpu.vector_store %arg4[%swap3A_563], %swap3A_566 {strides = array<i32>} : memref<256xi32, #tpu.memory_space<vmem>>, vector<16xi32>,
    %add3A_567 = arith.constant 224 : i32
    %add3A_568 = arith.addi %mul3A_2, %add3A_567 : i32
    %add3A_569 = arith.constant 16 : i32
    %add3A_570 = arith.addi %add3A_568, %add3A_569 : i32
    %add3A_571 = vector.broadcast %add3A_570 : i32 to vector<16xi32>
    %add3A_572 = arith.addi %add3A_571, %iota3A : vector<16xi32>
    %and3A_573 = arith.constant 2047 : i32
    %and3A_574 = vector.broadcast %and3A_573 : i32 to vector<16xi32>
    %and3A_575 = arith.andi %add3A_572, %and3A_574 : vector<16xi32>
    %shift_right_arithmetic3A_576 = arith.constant 3 : i32
    %shift_right_arithmetic3A_577 = vector.broadcast %shift_right_arithmetic3A_576 : i32 to vector<16xi32>
    %shift_right_arithmetic3A_578 = arith.shrsi %and3A_575, %shift_right_arithmetic3A_577 : vector<16xi32>
    %and3A_579 = arith.constant 7 : i32
    %and3A_580 = vector.broadcast %and3A_579 : i32 to vector<16xi32>
    %and3A_581 = arith.andi %and3A_575, %and3A_580 : vector<16xi32>
    %add3A_582 = arith.addi %mul3A_58, %select_n3A_30 : i32
    %shift_right_arithmetic3A_583 = arith.constant 4 : i32
    %shift_right_arithmetic3A_584 = vector.broadcast %shift_right_arithmetic3A_583 : i32 to vector<16xi32>
    %shift_right_arithmetic3A_585 = arith.shrsi %shift_right_arithmetic3A_578, %shift_right_arithmetic3A_584 : vector<16xi32>
    %mul3A_586 = vector.broadcast %select_n3A_43 : i32 to vector<16xi32>
    %mul3A_587 = arith.muli %shift_right_arithmetic3A_585, %mul3A_586 : vector<16xi32>
    %add3A_588 = vector.broadcast %add3A_582 : i32 to vector<16xi32>
    %add3A_589 = arith.addi %add3A_588, %mul3A_587 : vector<16xi32>
    %and3A_590 = arith.constant 15 : i32
    %and3A_591 = vector.broadcast %and3A_590 : i32 to vector<16xi32>
    %and3A_592 = arith.andi %shift_right_arithmetic3A_578, %and3A_591 : vector<16xi32>
    %mul3A_593 = vector.broadcast %select_n3A_56 : i32 to vector<16xi32>
    %mul3A_594 = arith.muli %and3A_592, %mul3A_593 : vector<16xi32>
    %add3A_595 = arith.addi %add3A_589, %mul3A_594 : vector<16xi32>
    %add3A_596 = arith.addi %add3A_595, %and3A_581 : vector<16xi32>
    %swap3A_597 = arith.constant 240 : index
    %swap3A_598 = tpu.vector_load %arg4[%swap3A_597] {strides = array<i32>} : memref<256xi32, #tpu.memory_space<vmem>>, vector<16xi32>,
    %swap3A_599 = vector.shape_cast %swap3A_598 : vector<16xi32> to vector<16xi32>
    %swap3A_600 = vector.shape_cast %add3A_596 : vector<16xi32> to vector<16xi32>
    tpu.vector_store %arg4[%swap3A_597], %swap3A_600 {strides = array<i32>} : memref<256xi32, #tpu.memory_space<vmem>>, vector<16xi32>,
    %dma_start3A = arith.constant 0 : i32
    %dma_start3A_601 = arith.constant 0 : i32
    %dma_start3A_602 = arith.constant 0 : i32
    %dma_start3A_603 = tpu.memref_slice %arg5[%dma_start3A, %dma_start3A_601, %dma_start3A_602] : memref<3x32x1024xf32, #tpu.memory_space<vmem>> -> memref<1x32x1024xf32, #tpu.memory_space<vmem>>
    %dma_start3A_604 = tpu.memref_squeeze %dma_start3A_603 : memref<1x32x1024xf32, #tpu.memory_space<vmem>> -> memref<32x1024xf32, #tpu.memory_space<vmem>>
    %dma_start3A_605 = arith.constant 0 : i32
    %dma_start3A_606 = tpu.memref_slice %arg4[%dma_start3A_605] : memref<256xi32, #tpu.memory_space<vmem>> -> memref<32xi32, #tpu.memory_space<vmem>>
    %dma_start3A_607 = arith.constant 0 : i32
    %dma_start3A_608 = arith.constant 0 : i32
    %dma_start3A_609 = tpu.memref_slice %arg2[%dma_start3A_607, %dma_start3A_608] : memref<16384x1024xf32, #tpu.memory_space<hbm>> -> memref<16384x1024xf32, #tpu.memory_space<hbm>>
    tpu.enqueue_indirect_dma source(%dma_start3A_609 : memref<16384x1024xf32, #tpu.memory_space<hbm>>) target(%dma_start3A_604 : memref<32x1024xf32, #tpu.memory_space<vmem>>) offsets(%dma_start3A_606 : memref<32xi32, #tpu.memory_space<vmem>>) semaphore(%arg6 : memref<!tpu.dma_semaphore, #tpu.memory_space<semaphore_mem>>)
    %dma_start3A_610 = arith.constant 1 : i32
    %dma_start3A_611 = arith.constant 0 : i32
    %dma_start3A_612 = arith.constant 0 : i32
    %dma_start3A_613 = tpu.memref_slice %arg5[%dma_start3A_610, %dma_start3A_611, %dma_start3A_612] : memref<3x32x1024xf32, #tpu.memory_space<vmem>> -> memref<1x32x1024xf32, #tpu.memory_space<vmem>>
    %dma_start3A_614 = tpu.memref_squeeze %dma_start3A_613 : memref<1x32x1024xf32, #tpu.memory_space<vmem>> -> memref<32x1024xf32, #tpu.memory_space<vmem>>
    %dma_start3A_615 = arith.constant 32 : i32
    %dma_start3A_616 = tpu.memref_slice %arg4[%dma_start3A_615] : memref<256xi32, #tpu.memory_space<vmem>> -> memref<32xi32, #tpu.memory_space<vmem>>
    %dma_start3A_617 = arith.constant 0 : i32
    %dma_start3A_618 = arith.constant 0 : i32
    %dma_start3A_619 = tpu.memref_slice %arg2[%dma_start3A_617, %dma_start3A_618] : memref<16384x1024xf32, #tpu.memory_space<hbm>> -> memref<16384x1024xf32, #tpu.memory_space<hbm>>
    tpu.enqueue_indirect_dma source(%dma_start3A_619 : memref<16384x1024xf32, #tpu.memory_space<hbm>>) target(%dma_start3A_614 : memref<32x1024xf32, #tpu.memory_space<vmem>>) offsets(%dma_start3A_616 : memref<32xi32, #tpu.memory_space<vmem>>) semaphore(%arg7 : memref<!tpu.dma_semaphore, #tpu.memory_space<semaphore_mem>>)
    %dma_start3A_620 = arith.constant 2 : i32
    %dma_start3A_621 = arith.constant 0 : i32
    %dma_start3A_622 = arith.constant 0 : i32
    %dma_start3A_623 = tpu.memref_slice %arg5[%dma_start3A_620, %dma_start3A_621, %dma_start3A_622] : memref<3x32x1024xf32, #tpu.memory_space<vmem>> -> memref<1x32x1024xf32, #tpu.memory_space<vmem>>
    %dma_start3A_624 = tpu.memref_squeeze %dma_start3A_623 : memref<1x32x1024xf32, #tpu.memory_space<vmem>> -> memref<32x1024xf32, #tpu.memory_space<vmem>>
    %dma_start3A_625 = arith.constant 64 : i32
    %dma_start3A_626 = tpu.memref_slice %arg4[%dma_start3A_625] : memref<256xi32, #tpu.memory_space<vmem>> -> memref<32xi32, #tpu.memory_space<vmem>>
    %dma_start3A_627 = arith.constant 0 : i32
    %dma_start3A_628 = arith.constant 0 : i32
    %dma_start3A_629 = tpu.memref_slice %arg2[%dma_start3A_627, %dma_start3A_628] : memref<16384x1024xf32, #tpu.memory_space<hbm>> -> memref<16384x1024xf32, #tpu.memory_space<hbm>>
    tpu.enqueue_indirect_dma source(%dma_start3A_629 : memref<16384x1024xf32, #tpu.memory_space<hbm>>) target(%dma_start3A_624 : memref<32x1024xf32, #tpu.memory_space<vmem>>) offsets(%dma_start3A_626 : memref<32xi32, #tpu.memory_space<vmem>>) semaphore(%arg8 : memref<!tpu.dma_semaphore, #tpu.memory_space<semaphore_mem>>)
    %dma_wait3A = arith.constant 0 : i32
    %dma_wait3A_630 = arith.constant 0 : i32
    %dma_wait3A_631 = arith.constant 0 : i32
    %dma_wait3A_632 = tpu.memref_slice %arg5[%dma_wait3A, %dma_wait3A_630, %dma_wait3A_631] : memref<3x32x1024xf32, #tpu.memory_space<vmem>> -> memref<1x32x1024xf32, #tpu.memory_space<vmem>>
    %dma_wait3A_633 = tpu.memref_squeeze %dma_wait3A_632 : memref<1x32x1024xf32, #tpu.memory_space<vmem>> -> memref<32x1024xf32, #tpu.memory_space<vmem>>
    %dma_wait3A_634 = arith.constant 0 : i32
    %dma_wait3A_635 = tpu.memref_slice %arg4[%dma_wait3A_634] : memref<256xi32, #tpu.memory_space<vmem>> -> memref<32xi32, #tpu.memory_space<vmem>>
    %dma_wait3A_636 = arith.constant 0 : i32
    %dma_wait3A_637 = arith.constant 0 : i32
    %dma_wait3A_638 = tpu.memref_slice %arg2[%dma_wait3A_636, %dma_wait3A_637] : memref<16384x1024xf32, #tpu.memory_space<hbm>> -> memref<16384x1024xf32, #tpu.memory_space<hbm>>
    tpu.wait_indirect_dma semaphore(%arg6 : memref<!tpu.dma_semaphore, #tpu.memory_space<semaphore_mem>>) src(%dma_wait3A_638 : memref<16384x1024xf32, #tpu.memory_space<hbm>>) dst(%dma_wait3A_633 : memref<32x1024xf32, #tpu.memory_space<vmem>>)
    %add3A_639 = arith.constant 0 : i32
    %add3A_640 = arith.addi %mul3A_2, %add3A_639 : i32
    %dma_start3A_641 = arith.constant 0 : i32
    %dma_start3A_642 = arith.constant 0 : i32
    %dma_start3A_643 = arith.constant 0 : i32
    %dma_start3A_644 = tpu.memref_slice %arg5[%dma_start3A_641, %dma_start3A_642, %dma_start3A_643] : memref<3x32x1024xf32, #tpu.memory_space<vmem>> -> memref<1x32x1024xf32, #tpu.memory_space<vmem>>
    %dma_start3A_645 = tpu.memref_squeeze %dma_start3A_644 : memref<1x32x1024xf32, #tpu.memory_space<vmem>> -> memref<32x1024xf32, #tpu.memory_space<vmem>>
    %dma_start3A_646 = arith.constant 0 : i32
    %dma_start3A_647 = tpu.memref_slice %arg3[%add3A_640, %dma_start3A_646] : memref<8192x1024xf32, #tpu.memory_space<hbm>> -> memref<32x1024xf32, #tpu.memory_space<hbm>>
    %dma_start3A_648 = arith.constant 0 : i32
    %dma_start3A_649 = tpu.memref_slice %arg3[%add3A_640, %dma_start3A_648] : memref<8192x1024xf32, #tpu.memory_space<hbm>> -> memref<32x1024xf32, #tpu.memory_space<hbm>>
    %dma_start3A_650 = arith.constant 0 : i32
    %dma_start3A_651 = arith.constant 0 : i32
    %dma_start3A_652 = tpu.memref_slice %arg5[%dma_start3A_641, %dma_start3A_650, %dma_start3A_651] : memref<3x32x1024xf32, #tpu.memory_space<vmem>> -> memref<1x32x1024xf32, #tpu.memory_space<vmem>>
    %dma_start3A_653 = tpu.memref_squeeze %dma_start3A_652 : memref<1x32x1024xf32, #tpu.memory_space<vmem>> -> memref<32x1024xf32, #tpu.memory_space<vmem>>
    tpu.enqueue_dma source(%dma_start3A_653 : memref<32x1024xf32, #tpu.memory_space<vmem>>) target(%dma_start3A_649 : memref<32x1024xf32, #tpu.memory_space<hbm>>) target_semaphore(%arg9 : memref<!tpu.dma_semaphore, #tpu.memory_space<semaphore_mem>>)
    %dma_wait3A_654 = arith.constant 0 : i32
    %dma_wait3A_655 = arith.constant 0 : i32
    %dma_wait3A_656 = arith.constant 0 : i32
    %dma_wait3A_657 = tpu.memref_slice %arg5[%dma_wait3A_654, %dma_wait3A_655, %dma_wait3A_656] : memref<3x32x1024xf32, #tpu.memory_space<vmem>> -> memref<1x32x1024xf32, #tpu.memory_space<vmem>>
    %dma_wait3A_658 = tpu.memref_squeeze %dma_wait3A_657 : memref<1x32x1024xf32, #tpu.memory_space<vmem>> -> memref<32x1024xf32, #tpu.memory_space<vmem>>
    %dma_wait3A_659 = arith.constant 0 : i32
    %dma_wait3A_660 = tpu.memref_slice %arg3[%add3A_640, %dma_wait3A_659] : memref<8192x1024xf32, #tpu.memory_space<hbm>> -> memref<32x1024xf32, #tpu.memory_space<hbm>>
    %dma_wait3A_661 = arith.constant 0 : i32
    %dma_wait3A_662 = tpu.memref_slice %arg3[%add3A_640, %dma_wait3A_661] : memref<8192x1024xf32, #tpu.memory_space<hbm>> -> memref<32x1024xf32, #tpu.memory_space<hbm>>
    %dma_wait3A_663 = arith.constant 0 : i32
    %dma_wait3A_664 = arith.constant 0 : i32
    %dma_wait3A_665 = tpu.memref_slice %arg5[%dma_wait3A_654, %dma_wait3A_663, %dma_wait3A_664] : memref<3x32x1024xf32, #tpu.memory_space<vmem>> -> memref<1x32x1024xf32, #tpu.memory_space<vmem>>
    %dma_wait3A_666 = tpu.memref_squeeze %dma_wait3A_665 : memref<1x32x1024xf32, #tpu.memory_space<vmem>> -> memref<32x1024xf32, #tpu.memory_space<vmem>>
    tpu.wait_dma2 semaphore(%arg9 : memref<!tpu.dma_semaphore, #tpu.memory_space<semaphore_mem>>) src(%dma_wait3A_666 : memref<32x1024xf32, #tpu.memory_space<vmem>>) dst(%dma_wait3A_662 : memref<32x1024xf32, #tpu.memory_space<hbm>>)
    %dma_start3A_667 = arith.constant 0 : i32
    %dma_start3A_668 = arith.constant 0 : i32
    %dma_start3A_669 = arith.constant 0 : i32
    %dma_start3A_670 = tpu.memref_slice %arg5[%dma_start3A_667, %dma_start3A_668, %dma_start3A_669] : memref<3x32x1024xf32, #tpu.memory_space<vmem>> -> memref<1x32x1024xf32, #tpu.memory_space<vmem>>
    %dma_start3A_671 = tpu.memref_squeeze %dma_start3A_670 : memref<1x32x1024xf32, #tpu.memory_space<vmem>> -> memref<32x1024xf32, #tpu.memory_space<vmem>>
    %dma_start3A_672 = arith.constant 96 : i32
    %dma_start3A_673 = tpu.memref_slice %arg4[%dma_start3A_672] : memref<256xi32, #tpu.memory_space<vmem>> -> memref<32xi32, #tpu.memory_space<vmem>>
    %dma_start3A_674 = arith.constant 0 : i32
    %dma_start3A_675 = arith.constant 0 : i32
    %dma_start3A_676 = tpu.memref_slice %arg2[%dma_start3A_674, %dma_start3A_675] : memref<16384x1024xf32, #tpu.memory_space<hbm>> -> memref<16384x1024xf32, #tpu.memory_space<hbm>>
    tpu.enqueue_indirect_dma source(%dma_start3A_676 : memref<16384x1024xf32, #tpu.memory_space<hbm>>) target(%dma_start3A_671 : memref<32x1024xf32, #tpu.memory_space<vmem>>) offsets(%dma_start3A_673 : memref<32xi32, #tpu.memory_space<vmem>>) semaphore(%arg6 : memref<!tpu.dma_semaphore, #tpu.memory_space<semaphore_mem>>)
    %dma_wait3A_677 = arith.constant 1 : i32
    %dma_wait3A_678 = arith.constant 0 : i32
    %dma_wait3A_679 = arith.constant 0 : i32
    %dma_wait3A_680 = tpu.memref_slice %arg5[%dma_wait3A_677, %dma_wait3A_678, %dma_wait3A_679] : memref<3x32x1024xf32, #tpu.memory_space<vmem>> -> memref<1x32x1024xf32, #tpu.memory_space<vmem>>
    %dma_wait3A_681 = tpu.memref_squeeze %dma_wait3A_680 : memref<1x32x1024xf32, #tpu.memory_space<vmem>> -> memref<32x1024xf32, #tpu.memory_space<vmem>>
    %dma_wait3A_682 = arith.constant 32 : i32
    %dma_wait3A_683 = tpu.memref_slice %arg4[%dma_wait3A_682] : memref<256xi32, #tpu.memory_space<vmem>> -> memref<32xi32, #tpu.memory_space<vmem>>
    %dma_wait3A_684 = arith.constant 0 : i32
    %dma_wait3A_685 = arith.constant 0 : i32
    %dma_wait3A_686 = tpu.memref_slice %arg2[%dma_wait3A_684, %dma_wait3A_685] : memref<16384x1024xf32, #tpu.memory_space<hbm>> -> memref<16384x1024xf32, #tpu.memory_space<hbm>>
    tpu.wait_indirect_dma semaphore(%arg7 : memref<!tpu.dma_semaphore, #tpu.memory_space<semaphore_mem>>) src(%dma_wait3A_686 : memref<16384x1024xf32, #tpu.memory_space<hbm>>) dst(%dma_wait3A_681 : memref<32x1024xf32, #tpu.memory_space<vmem>>)
    %add3A_687 = arith.constant 32 : i32
    %add3A_688 = arith.addi %mul3A_2, %add3A_687 : i32
    %dma_start3A_689 = arith.constant 1 : i32
    %dma_start3A_690 = arith.constant 0 : i32
    %dma_start3A_691 = arith.constant 0 : i32
    %dma_start3A_692 = tpu.memref_slice %arg5[%dma_start3A_689, %dma_start3A_690, %dma_start3A_691] : memref<3x32x1024xf32, #tpu.memory_space<vmem>> -> memref<1x32x1024xf32, #tpu.memory_space<vmem>>
    %dma_start3A_693 = tpu.memref_squeeze %dma_start3A_692 : memref<1x32x1024xf32, #tpu.memory_space<vmem>> -> memref<32x1024xf32, #tpu.memory_space<vmem>>
    %dma_start3A_694 = arith.constant 0 : i32
    %dma_start3A_695 = tpu.memref_slice %arg3[%add3A_688, %dma_start3A_694] : memref<8192x1024xf32, #tpu.memory_space<hbm>> -> memref<32x1024xf32, #tpu.memory_space<hbm>>
    %dma_start3A_696 = arith.constant 0 : i32
    %dma_start3A_697 = tpu.memref_slice %arg3[%add3A_688, %dma_start3A_696] : memref<8192x1024xf32, #tpu.memory_space<hbm>> -> memref<32x1024xf32, #tpu.memory_space<hbm>>
    %dma_start3A_698 = arith.constant 0 : i32
    %dma_start3A_699 = arith.constant 0 : i32
    %dma_start3A_700 = tpu.memref_slice %arg5[%dma_start3A_689, %dma_start3A_698, %dma_start3A_699] : memref<3x32x1024xf32, #tpu.memory_space<vmem>> -> memref<1x32x1024xf32, #tpu.memory_space<vmem>>
    %dma_start3A_701 = tpu.memref_squeeze %dma_start3A_700 : memref<1x32x1024xf32, #tpu.memory_space<vmem>> -> memref<32x1024xf32, #tpu.memory_space<vmem>>
    tpu.enqueue_dma source(%dma_start3A_701 : memref<32x1024xf32, #tpu.memory_space<vmem>>) target(%dma_start3A_697 : memref<32x1024xf32, #tpu.memory_space<hbm>>) target_semaphore(%arg10 : memref<!tpu.dma_semaphore, #tpu.memory_space<semaphore_mem>>)
    %dma_wait3A_702 = arith.constant 1 : i32
    %dma_wait3A_703 = arith.constant 0 : i32
    %dma_wait3A_704 = arith.constant 0 : i32
    %dma_wait3A_705 = tpu.memref_slice %arg5[%dma_wait3A_702, %dma_wait3A_703, %dma_wait3A_704] : memref<3x32x1024xf32, #tpu.memory_space<vmem>> -> memref<1x32x1024xf32, #tpu.memory_space<vmem>>
    %dma_wait3A_706 = tpu.memref_squeeze %dma_wait3A_705 : memref<1x32x1024xf32, #tpu.memory_space<vmem>> -> memref<32x1024xf32, #tpu.memory_space<vmem>>
    %dma_wait3A_707 = arith.constant 0 : i32
    %dma_wait3A_708 = tpu.memref_slice %arg3[%add3A_688, %dma_wait3A_707] : memref<8192x1024xf32, #tpu.memory_space<hbm>> -> memref<32x1024xf32, #tpu.memory_space<hbm>>
    %dma_wait3A_709 = arith.constant 0 : i32
    %dma_wait3A_710 = tpu.memref_slice %arg3[%add3A_688, %dma_wait3A_709] : memref<8192x1024xf32, #tpu.memory_space<hbm>> -> memref<32x1024xf32, #tpu.memory_space<hbm>>
    %dma_wait3A_711 = arith.constant 0 : i32
    %dma_wait3A_712 = arith.constant 0 : i32
    %dma_wait3A_713 = tpu.memref_slice %arg5[%dma_wait3A_702, %dma_wait3A_711, %dma_wait3A_712] : memref<3x32x1024xf32, #tpu.memory_space<vmem>> -> memref<1x32x1024xf32, #tpu.memory_space<vmem>>
    %dma_wait3A_714 = tpu.memref_squeeze %dma_wait3A_713 : memref<1x32x1024xf32, #tpu.memory_space<vmem>> -> memref<32x1024xf32, #tpu.memory_space<vmem>>
    tpu.wait_dma2 semaphore(%arg10 : memref<!tpu.dma_semaphore, #tpu.memory_space<semaphore_mem>>) src(%dma_wait3A_714 : memref<32x1024xf32, #tpu.memory_space<vmem>>) dst(%dma_wait3A_710 : memref<32x1024xf32, #tpu.memory_space<hbm>>)
    %dma_start3A_715 = arith.constant 1 : i32
    %dma_start3A_716 = arith.constant 0 : i32
    %dma_start3A_717 = arith.constant 0 : i32
    %dma_start3A_718 = tpu.memref_slice %arg5[%dma_start3A_715, %dma_start3A_716, %dma_start3A_717] : memref<3x32x1024xf32, #tpu.memory_space<vmem>> -> memref<1x32x1024xf32, #tpu.memory_space<vmem>>
    %dma_start3A_719 = tpu.memref_squeeze %dma_start3A_718 : memref<1x32x1024xf32, #tpu.memory_space<vmem>> -> memref<32x1024xf32, #tpu.memory_space<vmem>>
    %dma_start3A_720 = arith.constant 128 : i32
    %dma_start3A_721 = tpu.memref_slice %arg4[%dma_start3A_720] : memref<256xi32, #tpu.memory_space<vmem>> -> memref<32xi32, #tpu.memory_space<vmem>>
    %dma_start3A_722 = arith.constant 0 : i32
    %dma_start3A_723 = arith.constant 0 : i32
    %dma_start3A_724 = tpu.memref_slice %arg2[%dma_start3A_722, %dma_start3A_723] : memref<16384x1024xf32, #tpu.memory_space<hbm>> -> memref<16384x1024xf32, #tpu.memory_space<hbm>>
    tpu.enqueue_indirect_dma source(%dma_start3A_724 : memref<16384x1024xf32, #tpu.memory_space<hbm>>) target(%dma_start3A_719 : memref<32x1024xf32, #tpu.memory_space<vmem>>) offsets(%dma_start3A_721 : memref<32xi32, #tpu.memory_space<vmem>>) semaphore(%arg7 : memref<!tpu.dma_semaphore, #tpu.memory_space<semaphore_mem>>)
    %dma_wait3A_725 = arith.constant 2 : i32
    %dma_wait3A_726 = arith.constant 0 : i32
    %dma_wait3A_727 = arith.constant 0 : i32
    %dma_wait3A_728 = tpu.memref_slice %arg5[%dma_wait3A_725, %dma_wait3A_726, %dma_wait3A_727] : memref<3x32x1024xf32, #tpu.memory_space<vmem>> -> memref<1x32x1024xf32, #tpu.memory_space<vmem>>
    %dma_wait3A_729 = tpu.memref_squeeze %dma_wait3A_728 : memref<1x32x1024xf32, #tpu.memory_space<vmem>> -> memref<32x1024xf32, #tpu.memory_space<vmem>>
    %dma_wait3A_730 = arith.constant 64 : i32
    %dma_wait3A_731 = tpu.memref_slice %arg4[%dma_wait3A_730] : memref<256xi32, #tpu.memory_space<vmem>> -> memref<32xi32, #tpu.memory_space<vmem>>
    %dma_wait3A_732 = arith.constant 0 : i32
    %dma_wait3A_733 = arith.constant 0 : i32
    %dma_wait3A_734 = tpu.memref_slice %arg2[%dma_wait3A_732, %dma_wait3A_733] : memref<16384x1024xf32, #tpu.memory_space<hbm>> -> memref<16384x1024xf32, #tpu.memory_space<hbm>>
    tpu.wait_indirect_dma semaphore(%arg8 : memref<!tpu.dma_semaphore, #tpu.memory_space<semaphore_mem>>) src(%dma_wait3A_734 : memref<16384x1024xf32, #tpu.memory_space<hbm>>) dst(%dma_wait3A_729 : memref<32x1024xf32, #tpu.memory_space<vmem>>)
    %add3A_735 = arith.constant 64 : i32
    %add3A_736 = arith.addi %mul3A_2, %add3A_735 : i32
    %dma_start3A_737 = arith.constant 2 : i32
    %dma_start3A_738 = arith.constant 0 : i32
    %dma_start3A_739 = arith.constant 0 : i32
    %dma_start3A_740 = tpu.memref_slice %arg5[%dma_start3A_737, %dma_start3A_738, %dma_start3A_739] : memref<3x32x1024xf32, #tpu.memory_space<vmem>> -> memref<1x32x1024xf32, #tpu.memory_space<vmem>>
    %dma_start3A_741 = tpu.memref_squeeze %dma_start3A_740 : memref<1x32x1024xf32, #tpu.memory_space<vmem>> -> memref<32x1024xf32, #tpu.memory_space<vmem>>
    %dma_start3A_742 = arith.constant 0 : i32
    %dma_start3A_743 = tpu.memref_slice %arg3[%add3A_736, %dma_start3A_742] : memref<8192x1024xf32, #tpu.memory_space<hbm>> -> memref<32x1024xf32, #tpu.memory_space<hbm>>
    %dma_start3A_744 = arith.constant 0 : i32
    %dma_start3A_745 = tpu.memref_slice %arg3[%add3A_736, %dma_start3A_744] : memref<8192x1024xf32, #tpu.memory_space<hbm>> -> memref<32x1024xf32, #tpu.memory_space<hbm>>
    %dma_start3A_746 = arith.constant 0 : i32
    %dma_start3A_747 = arith.constant 0 : i32
    %dma_start3A_748 = tpu.memref_slice %arg5[%dma_start3A_737, %dma_start3A_746, %dma_start3A_747] : memref<3x32x1024xf32, #tpu.memory_space<vmem>> -> memref<1x32x1024xf32, #tpu.memory_space<vmem>>
    %dma_start3A_749 = tpu.memref_squeeze %dma_start3A_748 : memref<1x32x1024xf32, #tpu.memory_space<vmem>> -> memref<32x1024xf32, #tpu.memory_space<vmem>>
    tpu.enqueue_dma source(%dma_start3A_749 : memref<32x1024xf32, #tpu.memory_space<vmem>>) target(%dma_start3A_745 : memref<32x1024xf32, #tpu.memory_space<hbm>>) target_semaphore(%arg11 : memref<!tpu.dma_semaphore, #tpu.memory_space<semaphore_mem>>)
    %dma_wait3A_750 = arith.constant 2 : i32
    %dma_wait3A_751 = arith.constant 0 : i32
    %dma_wait3A_752 = arith.constant 0 : i32
    %dma_wait3A_753 = tpu.memref_slice %arg5[%dma_wait3A_750, %dma_wait3A_751, %dma_wait3A_752] : memref<3x32x1024xf32, #tpu.memory_space<vmem>> -> memref<1x32x1024xf32, #tpu.memory_space<vmem>>
    %dma_wait3A_754 = tpu.memref_squeeze %dma_wait3A_753 : memref<1x32x1024xf32, #tpu.memory_space<vmem>> -> memref<32x1024xf32, #tpu.memory_space<vmem>>
    %dma_wait3A_755 = arith.constant 0 : i32
    %dma_wait3A_756 = tpu.memref_slice %arg3[%add3A_736, %dma_wait3A_755] : memref<8192x1024xf32, #tpu.memory_space<hbm>> -> memref<32x1024xf32, #tpu.memory_space<hbm>>
    %dma_wait3A_757 = arith.constant 0 : i32
    %dma_wait3A_758 = tpu.memref_slice %arg3[%add3A_736, %dma_wait3A_757] : memref<8192x1024xf32, #tpu.memory_space<hbm>> -> memref<32x1024xf32, #tpu.memory_space<hbm>>
    %dma_wait3A_759 = arith.constant 0 : i32
    %dma_wait3A_760 = arith.constant 0 : i32
    %dma_wait3A_761 = tpu.memref_slice %arg5[%dma_wait3A_750, %dma_wait3A_759, %dma_wait3A_760] : memref<3x32x1024xf32, #tpu.memory_space<vmem>> -> memref<1x32x1024xf32, #tpu.memory_space<vmem>>
    %dma_wait3A_762 = tpu.memref_squeeze %dma_wait3A_761 : memref<1x32x1024xf32, #tpu.memory_space<vmem>> -> memref<32x1024xf32, #tpu.memory_space<vmem>>
    tpu.wait_dma2 semaphore(%arg11 : memref<!tpu.dma_semaphore, #tpu.memory_space<semaphore_mem>>) src(%dma_wait3A_762 : memref<32x1024xf32, #tpu.memory_space<vmem>>) dst(%dma_wait3A_758 : memref<32x1024xf32, #tpu.memory_space<hbm>>)
    %dma_start3A_763 = arith.constant 2 : i32
    %dma_start3A_764 = arith.constant 0 : i32
    %dma_start3A_765 = arith.constant 0 : i32
    %dma_start3A_766 = tpu.memref_slice %arg5[%dma_start3A_763, %dma_start3A_764, %dma_start3A_765] : memref<3x32x1024xf32, #tpu.memory_space<vmem>> -> memref<1x32x1024xf32, #tpu.memory_space<vmem>>
    %dma_start3A_767 = tpu.memref_squeeze %dma_start3A_766 : memref<1x32x1024xf32, #tpu.memory_space<vmem>> -> memref<32x1024xf32, #tpu.memory_space<vmem>>
    %dma_start3A_768 = arith.constant 160 : i32
    %dma_start3A_769 = tpu.memref_slice %arg4[%dma_start3A_768] : memref<256xi32, #tpu.memory_space<vmem>> -> memref<32xi32, #tpu.memory_space<vmem>>
    %dma_start3A_770 = arith.constant 0 : i32
    %dma_start3A_771 = arith.constant 0 : i32
    %dma_start3A_772 = tpu.memref_slice %arg2[%dma_start3A_770, %dma_start3A_771] : memref<16384x1024xf32, #tpu.memory_space<hbm>> -> memref<16384x1024xf32, #tpu.memory_space<hbm>>
    tpu.enqueue_indirect_dma source(%dma_start3A_772 : memref<16384x1024xf32, #tpu.memory_space<hbm>>) target(%dma_start3A_767 : memref<32x1024xf32, #tpu.memory_space<vmem>>) offsets(%dma_start3A_769 : memref<32xi32, #tpu.memory_space<vmem>>) semaphore(%arg8 : memref<!tpu.dma_semaphore, #tpu.memory_space<semaphore_mem>>)
    %dma_wait3A_773 = arith.constant 0 : i32
    %dma_wait3A_774 = arith.constant 0 : i32
    %dma_wait3A_775 = arith.constant 0 : i32
    %dma_wait3A_776 = tpu.memref_slice %arg5[%dma_wait3A_773, %dma_wait3A_774, %dma_wait3A_775] : memref<3x32x1024xf32, #tpu.memory_space<vmem>> -> memref<1x32x1024xf32, #tpu.memory_space<vmem>>
    %dma_wait3A_777 = tpu.memref_squeeze %dma_wait3A_776 : memref<1x32x1024xf32, #tpu.memory_space<vmem>> -> memref<32x1024xf32, #tpu.memory_space<vmem>>
    %dma_wait3A_778 = arith.constant 96 : i32
    %dma_wait3A_779 = tpu.memref_slice %arg4[%dma_wait3A_778] : memref<256xi32, #tpu.memory_space<vmem>> -> memref<32xi32, #tpu.memory_space<vmem>>
    %dma_wait3A_780 = arith.constant 0 : i32
    %dma_wait3A_781 = arith.constant 0 : i32
    %dma_wait3A_782 = tpu.memref_slice %arg2[%dma_wait3A_780, %dma_wait3A_781] : memref<16384x1024xf32, #tpu.memory_space<hbm>> -> memref<16384x1024xf32, #tpu.memory_space<hbm>>
    tpu.wait_indirect_dma semaphore(%arg6 : memref<!tpu.dma_semaphore, #tpu.memory_space<semaphore_mem>>) src(%dma_wait3A_782 : memref<16384x1024xf32, #tpu.memory_space<hbm>>) dst(%dma_wait3A_777 : memref<32x1024xf32, #tpu.memory_space<vmem>>)
    %add3A_783 = arith.constant 96 : i32
    %add3A_784 = arith.addi %mul3A_2, %add3A_783 : i32
    %dma_start3A_785 = arith.constant 0 : i32
    %dma_start3A_786 = arith.constant 0 : i32
    %dma_start3A_787 = arith.constant 0 : i32
    %dma_start3A_788 = tpu.memref_slice %arg5[%dma_start3A_785, %dma_start3A_786, %dma_start3A_787] : memref<3x32x1024xf32, #tpu.memory_space<vmem>> -> memref<1x32x1024xf32, #tpu.memory_space<vmem>>
    %dma_start3A_789 = tpu.memref_squeeze %dma_start3A_788 : memref<1x32x1024xf32, #tpu.memory_space<vmem>> -> memref<32x1024xf32, #tpu.memory_space<vmem>>
    %dma_start3A_790 = arith.constant 0 : i32
    %dma_start3A_791 = tpu.memref_slice %arg3[%add3A_784, %dma_start3A_790] : memref<8192x1024xf32, #tpu.memory_space<hbm>> -> memref<32x1024xf32, #tpu.memory_space<hbm>>
    %dma_start3A_792 = arith.constant 0 : i32
    %dma_start3A_793 = tpu.memref_slice %arg3[%add3A_784, %dma_start3A_792] : memref<8192x1024xf32, #tpu.memory_space<hbm>> -> memref<32x1024xf32, #tpu.memory_space<hbm>>
    %dma_start3A_794 = arith.constant 0 : i32
    %dma_start3A_795 = arith.constant 0 : i32
    %dma_start3A_796 = tpu.memref_slice %arg5[%dma_start3A_785, %dma_start3A_794, %dma_start3A_795] : memref<3x32x1024xf32, #tpu.memory_space<vmem>> -> memref<1x32x1024xf32, #tpu.memory_space<vmem>>
    %dma_start3A_797 = tpu.memref_squeeze %dma_start3A_796 : memref<1x32x1024xf32, #tpu.memory_space<vmem>> -> memref<32x1024xf32, #tpu.memory_space<vmem>>
    tpu.enqueue_dma source(%dma_start3A_797 : memref<32x1024xf32, #tpu.memory_space<vmem>>) target(%dma_start3A_793 : memref<32x1024xf32, #tpu.memory_space<hbm>>) target_semaphore(%arg9 : memref<!tpu.dma_semaphore, #tpu.memory_space<semaphore_mem>>)
    %dma_wait3A_798 = arith.constant 0 : i32
    %dma_wait3A_799 = arith.constant 0 : i32
    %dma_wait3A_800 = arith.constant 0 : i32
    %dma_wait3A_801 = tpu.memref_slice %arg5[%dma_wait3A_798, %dma_wait3A_799, %dma_wait3A_800] : memref<3x32x1024xf32, #tpu.memory_space<vmem>> -> memref<1x32x1024xf32, #tpu.memory_space<vmem>>
    %dma_wait3A_802 = tpu.memref_squeeze %dma_wait3A_801 : memref<1x32x1024xf32, #tpu.memory_space<vmem>> -> memref<32x1024xf32, #tpu.memory_space<vmem>>
    %dma_wait3A_803 = arith.constant 0 : i32
    %dma_wait3A_804 = tpu.memref_slice %arg3[%add3A_784, %dma_wait3A_803] : memref<8192x1024xf32, #tpu.memory_space<hbm>> -> memref<32x1024xf32, #tpu.memory_space<hbm>>
    %dma_wait3A_805 = arith.constant 0 : i32
    %dma_wait3A_806 = tpu.memref_slice %arg3[%add3A_784, %dma_wait3A_805] : memref<8192x1024xf32, #tpu.memory_space<hbm>> -> memref<32x1024xf32, #tpu.memory_space<hbm>>
    %dma_wait3A_807 = arith.constant 0 : i32
    %dma_wait3A_808 = arith.constant 0 : i32
    %dma_wait3A_809 = tpu.memref_slice %arg5[%dma_wait3A_798, %dma_wait3A_807, %dma_wait3A_808] : memref<3x32x1024xf32, #tpu.memory_space<vmem>> -> memref<1x32x1024xf32, #tpu.memory_space<vmem>>
    %dma_wait3A_810 = tpu.memref_squeeze %dma_wait3A_809 : memref<1x32x1024xf32, #tpu.memory_space<vmem>> -> memref<32x1024xf32, #tpu.memory_space<vmem>>
    tpu.wait_dma2 semaphore(%arg9 : memref<!tpu.dma_semaphore, #tpu.memory_space<semaphore_mem>>) src(%dma_wait3A_810 : memref<32x1024xf32, #tpu.memory_space<vmem>>) dst(%dma_wait3A_806 : memref<32x1024xf32, #tpu.memory_space<hbm>>)
    %dma_start3A_811 = arith.constant 0 : i32
    %dma_start3A_812 = arith.constant 0 : i32
    %dma_start3A_813 = arith.constant 0 : i32
    %dma_start3A_814 = tpu.memref_slice %arg5[%dma_start3A_811, %dma_start3A_812, %dma_start3A_813] : memref<3x32x1024xf32, #tpu.memory_space<vmem>> -> memref<1x32x1024xf32, #tpu.memory_space<vmem>>
    %dma_start3A_815 = tpu.memref_squeeze %dma_start3A_814 : memref<1x32x1024xf32, #tpu.memory_space<vmem>> -> memref<32x1024xf32, #tpu.memory_space<vmem>>
    %dma_start3A_816 = arith.constant 192 : i32
    %dma_start3A_817 = tpu.memref_slice %arg4[%dma_start3A_816] : memref<256xi32, #tpu.memory_space<vmem>> -> memref<32xi32, #tpu.memory_space<vmem>>
    %dma_start3A_818 = arith.constant 0 : i32
    %dma_start3A_819 = arith.constant 0 : i32
    %dma_start3A_820 = tpu.memref_slice %arg2[%dma_start3A_818, %dma_start3A_819] : memref<16384x1024xf32, #tpu.memory_space<hbm>> -> memref<16384x1024xf32, #tpu.memory_space<hbm>>
    tpu.enqueue_indirect_dma source(%dma_start3A_820 : memref<16384x1024xf32, #tpu.memory_space<hbm>>) target(%dma_start3A_815 : memref<32x1024xf32, #tpu.memory_space<vmem>>) offsets(%dma_start3A_817 : memref<32xi32, #tpu.memory_space<vmem>>) semaphore(%arg6 : memref<!tpu.dma_semaphore, #tpu.memory_space<semaphore_mem>>)
    %dma_wait3A_821 = arith.constant 1 : i32
    %dma_wait3A_822 = arith.constant 0 : i32
    %dma_wait3A_823 = arith.constant 0 : i32
    %dma_wait3A_824 = tpu.memref_slice %arg5[%dma_wait3A_821, %dma_wait3A_822, %dma_wait3A_823] : memref<3x32x1024xf32, #tpu.memory_space<vmem>> -> memref<1x32x1024xf32, #tpu.memory_space<vmem>>
    %dma_wait3A_825 = tpu.memref_squeeze %dma_wait3A_824 : memref<1x32x1024xf32, #tpu.memory_space<vmem>> -> memref<32x1024xf32, #tpu.memory_space<vmem>>
    %dma_wait3A_826 = arith.constant 128 : i32
    %dma_wait3A_827 = tpu.memref_slice %arg4[%dma_wait3A_826] : memref<256xi32, #tpu.memory_space<vmem>> -> memref<32xi32, #tpu.memory_space<vmem>>
    %dma_wait3A_828 = arith.constant 0 : i32
    %dma_wait3A_829 = arith.constant 0 : i32
    %dma_wait3A_830 = tpu.memref_slice %arg2[%dma_wait3A_828, %dma_wait3A_829] : memref<16384x1024xf32, #tpu.memory_space<hbm>> -> memref<16384x1024xf32, #tpu.memory_space<hbm>>
    tpu.wait_indirect_dma semaphore(%arg7 : memref<!tpu.dma_semaphore, #tpu.memory_space<semaphore_mem>>) src(%dma_wait3A_830 : memref<16384x1024xf32, #tpu.memory_space<hbm>>) dst(%dma_wait3A_825 : memref<32x1024xf32, #tpu.memory_space<vmem>>)
    %add3A_831 = arith.constant 128 : i32
    %add3A_832 = arith.addi %mul3A_2, %add3A_831 : i32
    %dma_start3A_833 = arith.constant 1 : i32
    %dma_start3A_834 = arith.constant 0 : i32
    %dma_start3A_835 = arith.constant 0 : i32
    %dma_start3A_836 = tpu.memref_slice %arg5[%dma_start3A_833, %dma_start3A_834, %dma_start3A_835] : memref<3x32x1024xf32, #tpu.memory_space<vmem>> -> memref<1x32x1024xf32, #tpu.memory_space<vmem>>
    %dma_start3A_837 = tpu.memref_squeeze %dma_start3A_836 : memref<1x32x1024xf32, #tpu.memory_space<vmem>> -> memref<32x1024xf32, #tpu.memory_space<vmem>>
    %dma_start3A_838 = arith.constant 0 : i32
    %dma_start3A_839 = tpu.memref_slice %arg3[%add3A_832, %dma_start3A_838] : memref<8192x1024xf32, #tpu.memory_space<hbm>> -> memref<32x1024xf32, #tpu.memory_space<hbm>>
    %dma_start3A_840 = arith.constant 0 : i32
    %dma_start3A_841 = tpu.memref_slice %arg3[%add3A_832, %dma_start3A_840] : memref<8192x1024xf32, #tpu.memory_space<hbm>> -> memref<32x1024xf32, #tpu.memory_space<hbm>>
    %dma_start3A_842 = arith.constant 0 : i32
    %dma_start3A_843 = arith.constant 0 : i32
    %dma_start3A_844 = tpu.memref_slice %arg5[%dma_start3A_833, %dma_start3A_842, %dma_start3A_843] : memref<3x32x1024xf32, #tpu.memory_space<vmem>> -> memref<1x32x1024xf32, #tpu.memory_space<vmem>>
    %dma_start3A_845 = tpu.memref_squeeze %dma_start3A_844 : memref<1x32x1024xf32, #tpu.memory_space<vmem>> -> memref<32x1024xf32, #tpu.memory_space<vmem>>
    tpu.enqueue_dma source(%dma_start3A_845 : memref<32x1024xf32, #tpu.memory_space<vmem>>) target(%dma_start3A_841 : memref<32x1024xf32, #tpu.memory_space<hbm>>) target_semaphore(%arg10 : memref<!tpu.dma_semaphore, #tpu.memory_space<semaphore_mem>>)
    %dma_wait3A_846 = arith.constant 1 : i32
    %dma_wait3A_847 = arith.constant 0 : i32
    %dma_wait3A_848 = arith.constant 0 : i32
    %dma_wait3A_849 = tpu.memref_slice %arg5[%dma_wait3A_846, %dma_wait3A_847, %dma_wait3A_848] : memref<3x32x1024xf32, #tpu.memory_space<vmem>> -> memref<1x32x1024xf32, #tpu.memory_space<vmem>>
    %dma_wait3A_850 = tpu.memref_squeeze %dma_wait3A_849 : memref<1x32x1024xf32, #tpu.memory_space<vmem>> -> memref<32x1024xf32, #tpu.memory_space<vmem>>
    %dma_wait3A_851 = arith.constant 0 : i32
    %dma_wait3A_852 = tpu.memref_slice %arg3[%add3A_832, %dma_wait3A_851] : memref<8192x1024xf32, #tpu.memory_space<hbm>> -> memref<32x1024xf32, #tpu.memory_space<hbm>>
    %dma_wait3A_853 = arith.constant 0 : i32
    %dma_wait3A_854 = tpu.memref_slice %arg3[%add3A_832, %dma_wait3A_853] : memref<8192x1024xf32, #tpu.memory_space<hbm>> -> memref<32x1024xf32, #tpu.memory_space<hbm>>
    %dma_wait3A_855 = arith.constant 0 : i32
    %dma_wait3A_856 = arith.constant 0 : i32
    %dma_wait3A_857 = tpu.memref_slice %arg5[%dma_wait3A_846, %dma_wait3A_855, %dma_wait3A_856] : memref<3x32x1024xf32, #tpu.memory_space<vmem>> -> memref<1x32x1024xf32, #tpu.memory_space<vmem>>
    %dma_wait3A_858 = tpu.memref_squeeze %dma_wait3A_857 : memref<1x32x1024xf32, #tpu.memory_space<vmem>> -> memref<32x1024xf32, #tpu.memory_space<vmem>>
    tpu.wait_dma2 semaphore(%arg10 : memref<!tpu.dma_semaphore, #tpu.memory_space<semaphore_mem>>) src(%dma_wait3A_858 : memref<32x1024xf32, #tpu.memory_space<vmem>>) dst(%dma_wait3A_854 : memref<32x1024xf32, #tpu.memory_space<hbm>>)
    %dma_start3A_859 = arith.constant 1 : i32
    %dma_start3A_860 = arith.constant 0 : i32
    %dma_start3A_861 = arith.constant 0 : i32
    %dma_start3A_862 = tpu.memref_slice %arg5[%dma_start3A_859, %dma_start3A_860, %dma_start3A_861] : memref<3x32x1024xf32, #tpu.memory_space<vmem>> -> memref<1x32x1024xf32, #tpu.memory_space<vmem>>
    %dma_start3A_863 = tpu.memref_squeeze %dma_start3A_862 : memref<1x32x1024xf32, #tpu.memory_space<vmem>> -> memref<32x1024xf32, #tpu.memory_space<vmem>>
    %dma_start3A_864 = arith.constant 224 : i32
    %dma_start3A_865 = tpu.memref_slice %arg4[%dma_start3A_864] : memref<256xi32, #tpu.memory_space<vmem>> -> memref<32xi32, #tpu.memory_space<vmem>>
    %dma_start3A_866 = arith.constant 0 : i32
    %dma_start3A_867 = arith.constant 0 : i32
    %dma_start3A_868 = tpu.memref_slice %arg2[%dma_start3A_866, %dma_start3A_867] : memref<16384x1024xf32, #tpu.memory_space<hbm>> -> memref<16384x1024xf32, #tpu.memory_space<hbm>>
    tpu.enqueue_indirect_dma source(%dma_start3A_868 : memref<16384x1024xf32, #tpu.memory_space<hbm>>) target(%dma_start3A_863 : memref<32x1024xf32, #tpu.memory_space<vmem>>) offsets(%dma_start3A_865 : memref<32xi32, #tpu.memory_space<vmem>>) semaphore(%arg7 : memref<!tpu.dma_semaphore, #tpu.memory_space<semaphore_mem>>)
    %dma_wait3A_869 = arith.constant 2 : i32
    %dma_wait3A_870 = arith.constant 0 : i32
    %dma_wait3A_871 = arith.constant 0 : i32
    %dma_wait3A_872 = tpu.memref_slice %arg5[%dma_wait3A_869, %dma_wait3A_870, %dma_wait3A_871] : memref<3x32x1024xf32, #tpu.memory_space<vmem>> -> memref<1x32x1024xf32, #tpu.memory_space<vmem>>
    %dma_wait3A_873 = tpu.memref_squeeze %dma_wait3A_872 : memref<1x32x1024xf32, #tpu.memory_space<vmem>> -> memref<32x1024xf32, #tpu.memory_space<vmem>>
    %dma_wait3A_874 = arith.constant 160 : i32
    %dma_wait3A_875 = tpu.memref_slice %arg4[%dma_wait3A_874] : memref<256xi32, #tpu.memory_space<vmem>> -> memref<32xi32, #tpu.memory_space<vmem>>
    %dma_wait3A_876 = arith.constant 0 : i32
    %dma_wait3A_877 = arith.constant 0 : i32
    %dma_wait3A_878 = tpu.memref_slice %arg2[%dma_wait3A_876, %dma_wait3A_877] : memref<16384x1024xf32, #tpu.memory_space<hbm>> -> memref<16384x1024xf32, #tpu.memory_space<hbm>>
    tpu.wait_indirect_dma semaphore(%arg8 : memref<!tpu.dma_semaphore, #tpu.memory_space<semaphore_mem>>) src(%dma_wait3A_878 : memref<16384x1024xf32, #tpu.memory_space<hbm>>) dst(%dma_wait3A_873 : memref<32x1024xf32, #tpu.memory_space<vmem>>)
    %add3A_879 = arith.constant 160 : i32
    %add3A_880 = arith.addi %mul3A_2, %add3A_879 : i32
    %dma_start3A_881 = arith.constant 2 : i32
    %dma_start3A_882 = arith.constant 0 : i32
    %dma_start3A_883 = arith.constant 0 : i32
    %dma_start3A_884 = tpu.memref_slice %arg5[%dma_start3A_881, %dma_start3A_882, %dma_start3A_883] : memref<3x32x1024xf32, #tpu.memory_space<vmem>> -> memref<1x32x1024xf32, #tpu.memory_space<vmem>>
    %dma_start3A_885 = tpu.memref_squeeze %dma_start3A_884 : memref<1x32x1024xf32, #tpu.memory_space<vmem>> -> memref<32x1024xf32, #tpu.memory_space<vmem>>
    %dma_start3A_886 = arith.constant 0 : i32
    %dma_start3A_887 = tpu.memref_slice %arg3[%add3A_880, %dma_start3A_886] : memref<8192x1024xf32, #tpu.memory_space<hbm>> -> memref<32x1024xf32, #tpu.memory_space<hbm>>
    %dma_start3A_888 = arith.constant 0 : i32
    %dma_start3A_889 = tpu.memref_slice %arg3[%add3A_880, %dma_start3A_888] : memref<8192x1024xf32, #tpu.memory_space<hbm>> -> memref<32x1024xf32, #tpu.memory_space<hbm>>
    %dma_start3A_890 = arith.constant 0 : i32
    %dma_start3A_891 = arith.constant 0 : i32
    %dma_start3A_892 = tpu.memref_slice %arg5[%dma_start3A_881, %dma_start3A_890, %dma_start3A_891] : memref<3x32x1024xf32, #tpu.memory_space<vmem>> -> memref<1x32x1024xf32, #tpu.memory_space<vmem>>
    %dma_start3A_893 = tpu.memref_squeeze %dma_start3A_892 : memref<1x32x1024xf32, #tpu.memory_space<vmem>> -> memref<32x1024xf32, #tpu.memory_space<vmem>>
    tpu.enqueue_dma source(%dma_start3A_893 : memref<32x1024xf32, #tpu.memory_space<vmem>>) target(%dma_start3A_889 : memref<32x1024xf32, #tpu.memory_space<hbm>>) target_semaphore(%arg11 : memref<!tpu.dma_semaphore, #tpu.memory_space<semaphore_mem>>)
    %dma_wait3A_894 = arith.constant 0 : i32
    %dma_wait3A_895 = arith.constant 0 : i32
    %dma_wait3A_896 = arith.constant 0 : i32
    %dma_wait3A_897 = tpu.memref_slice %arg5[%dma_wait3A_894, %dma_wait3A_895, %dma_wait3A_896] : memref<3x32x1024xf32, #tpu.memory_space<vmem>> -> memref<1x32x1024xf32, #tpu.memory_space<vmem>>
    %dma_wait3A_898 = tpu.memref_squeeze %dma_wait3A_897 : memref<1x32x1024xf32, #tpu.memory_space<vmem>> -> memref<32x1024xf32, #tpu.memory_space<vmem>>
    %dma_wait3A_899 = arith.constant 192 : i32
    %dma_wait3A_900 = tpu.memref_slice %arg4[%dma_wait3A_899] : memref<256xi32, #tpu.memory_space<vmem>> -> memref<32xi32, #tpu.memory_space<vmem>>
    %dma_wait3A_901 = arith.constant 0 : i32
    %dma_wait3A_902 = arith.constant 0 : i32
    %dma_wait3A_903 = tpu.memref_slice %arg2[%dma_wait3A_901, %dma_wait3A_902] : memref<16384x1024xf32, #tpu.memory_space<hbm>> -> memref<16384x1024xf32, #tpu.memory_space<hbm>>
    tpu.wait_indirect_dma semaphore(%arg6 : memref<!tpu.dma_semaphore, #tpu.memory_space<semaphore_mem>>) src(%dma_wait3A_903 : memref<16384x1024xf32, #tpu.memory_space<hbm>>) dst(%dma_wait3A_898 : memref<32x1024xf32, #tpu.memory_space<vmem>>)
    %add3A_904 = arith.constant 192 : i32
    %add3A_905 = arith.addi %mul3A_2, %add3A_904 : i32
    %dma_start3A_906 = arith.constant 0 : i32
    %dma_start3A_907 = arith.constant 0 : i32
    %dma_start3A_908 = arith.constant 0 : i32
    %dma_start3A_909 = tpu.memref_slice %arg5[%dma_start3A_906, %dma_start3A_907, %dma_start3A_908] : memref<3x32x1024xf32, #tpu.memory_space<vmem>> -> memref<1x32x1024xf32, #tpu.memory_space<vmem>>
    %dma_start3A_910 = tpu.memref_squeeze %dma_start3A_909 : memref<1x32x1024xf32, #tpu.memory_space<vmem>> -> memref<32x1024xf32, #tpu.memory_space<vmem>>
    %dma_start3A_911 = arith.constant 0 : i32
    %dma_start3A_912 = tpu.memref_slice %arg3[%add3A_905, %dma_start3A_911] : memref<8192x1024xf32, #tpu.memory_space<hbm>> -> memref<32x1024xf32, #tpu.memory_space<hbm>>
    %dma_start3A_913 = arith.constant 0 : i32
    %dma_start3A_914 = tpu.memref_slice %arg3[%add3A_905, %dma_start3A_913] : memref<8192x1024xf32, #tpu.memory_space<hbm>> -> memref<32x1024xf32, #tpu.memory_space<hbm>>
    %dma_start3A_915 = arith.constant 0 : i32
    %dma_start3A_916 = arith.constant 0 : i32
    %dma_start3A_917 = tpu.memref_slice %arg5[%dma_start3A_906, %dma_start3A_915, %dma_start3A_916] : memref<3x32x1024xf32, #tpu.memory_space<vmem>> -> memref<1x32x1024xf32, #tpu.memory_space<vmem>>
    %dma_start3A_918 = tpu.memref_squeeze %dma_start3A_917 : memref<1x32x1024xf32, #tpu.memory_space<vmem>> -> memref<32x1024xf32, #tpu.memory_space<vmem>>
    tpu.enqueue_dma source(%dma_start3A_918 : memref<32x1024xf32, #tpu.memory_space<vmem>>) target(%dma_start3A_914 : memref<32x1024xf32, #tpu.memory_space<hbm>>) target_semaphore(%arg9 : memref<!tpu.dma_semaphore, #tpu.memory_space<semaphore_mem>>)
    %dma_wait3A_919 = arith.constant 1 : i32
    %dma_wait3A_920 = arith.constant 0 : i32
    %dma_wait3A_921 = arith.constant 0 : i32
    %dma_wait3A_922 = tpu.memref_slice %arg5[%dma_wait3A_919, %dma_wait3A_920, %dma_wait3A_921] : memref<3x32x1024xf32, #tpu.memory_space<vmem>> -> memref<1x32x1024xf32, #tpu.memory_space<vmem>>
    %dma_wait3A_923 = tpu.memref_squeeze %dma_wait3A_922 : memref<1x32x1024xf32, #tpu.memory_space<vmem>> -> memref<32x1024xf32, #tpu.memory_space<vmem>>
    %dma_wait3A_924 = arith.constant 224 : i32
    %dma_wait3A_925 = tpu.memref_slice %arg4[%dma_wait3A_924] : memref<256xi32, #tpu.memory_space<vmem>> -> memref<32xi32, #tpu.memory_space<vmem>>
    %dma_wait3A_926 = arith.constant 0 : i32
    %dma_wait3A_927 = arith.constant 0 : i32
    %dma_wait3A_928 = tpu.memref_slice %arg2[%dma_wait3A_926, %dma_wait3A_927] : memref<16384x1024xf32, #tpu.memory_space<hbm>> -> memref<16384x1024xf32, #tpu.memory_space<hbm>>
    tpu.wait_indirect_dma semaphore(%arg7 : memref<!tpu.dma_semaphore, #tpu.memory_space<semaphore_mem>>) src(%dma_wait3A_928 : memref<16384x1024xf32, #tpu.memory_space<hbm>>) dst(%dma_wait3A_923 : memref<32x1024xf32, #tpu.memory_space<vmem>>)
    %add3A_929 = arith.constant 224 : i32
    %add3A_930 = arith.addi %mul3A_2, %add3A_929 : i32
    %dma_start3A_931 = arith.constant 1 : i32
    %dma_start3A_932 = arith.constant 0 : i32
    %dma_start3A_933 = arith.constant 0 : i32
    %dma_start3A_934 = tpu.memref_slice %arg5[%dma_start3A_931, %dma_start3A_932, %dma_start3A_933] : memref<3x32x1024xf32, #tpu.memory_space<vmem>> -> memref<1x32x1024xf32, #tpu.memory_space<vmem>>
    %dma_start3A_935 = tpu.memref_squeeze %dma_start3A_934 : memref<1x32x1024xf32, #tpu.memory_space<vmem>> -> memref<32x1024xf32, #tpu.memory_space<vmem>>
    %dma_start3A_936 = arith.constant 0 : i32
    %dma_start3A_937 = tpu.memref_slice %arg3[%add3A_930, %dma_start3A_936] : memref<8192x1024xf32, #tpu.memory_space<hbm>> -> memref<32x1024xf32, #tpu.memory_space<hbm>>
    %dma_start3A_938 = arith.constant 0 : i32
    %dma_start3A_939 = tpu.memref_slice %arg3[%add3A_930, %dma_start3A_938] : memref<8192x1024xf32, #tpu.memory_space<hbm>> -> memref<32x1024xf32, #tpu.memory_space<hbm>>
    %dma_start3A_940 = arith.constant 0 : i32
    %dma_start3A_941 = arith.constant 0 : i32
    %dma_start3A_942 = tpu.memref_slice %arg5[%dma_start3A_931, %dma_start3A_940, %dma_start3A_941] : memref<3x32x1024xf32, #tpu.memory_space<vmem>> -> memref<1x32x1024xf32, #tpu.memory_space<vmem>>
    %dma_start3A_943 = tpu.memref_squeeze %dma_start3A_942 : memref<1x32x1024xf32, #tpu.memory_space<vmem>> -> memref<32x1024xf32, #tpu.memory_space<vmem>>
    tpu.enqueue_dma source(%dma_start3A_943 : memref<32x1024xf32, #tpu.memory_space<vmem>>) target(%dma_start3A_939 : memref<32x1024xf32, #tpu.memory_space<hbm>>) target_semaphore(%arg10 : memref<!tpu.dma_semaphore, #tpu.memory_space<semaphore_mem>>)
    %dma_wait3A_944 = arith.constant 2 : i32
    %dma_wait3A_945 = arith.constant 0 : i32
    %dma_wait3A_946 = arith.constant 0 : i32
    %dma_wait3A_947 = tpu.memref_slice %arg5[%dma_wait3A_944, %dma_wait3A_945, %dma_wait3A_946] : memref<3x32x1024xf32, #tpu.memory_space<vmem>> -> memref<1x32x1024xf32, #tpu.memory_space<vmem>>
    %dma_wait3A_948 = tpu.memref_squeeze %dma_wait3A_947 : memref<1x32x1024xf32, #tpu.memory_space<vmem>> -> memref<32x1024xf32, #tpu.memory_space<vmem>>
    %dma_wait3A_949 = arith.constant 0 : i32
    %dma_wait3A_950 = tpu.memref_slice %arg3[%add3A_880, %dma_wait3A_949] : memref<8192x1024xf32, #tpu.memory_space<hbm>> -> memref<32x1024xf32, #tpu.memory_space<hbm>>
    %dma_wait3A_951 = arith.constant 0 : i32
    %dma_wait3A_952 = tpu.memref_slice %arg3[%add3A_880, %dma_wait3A_951] : memref<8192x1024xf32, #tpu.memory_space<hbm>> -> memref<32x1024xf32, #tpu.memory_space<hbm>>
    %dma_wait3A_953 = arith.constant 0 : i32
    %dma_wait3A_954 = arith.constant 0 : i32
    %dma_wait3A_955 = tpu.memref_slice %arg5[%dma_wait3A_944, %dma_wait3A_953, %dma_wait3A_954] : memref<3x32x1024xf32, #tpu.memory_space<vmem>> -> memref<1x32x1024xf32, #tpu.memory_space<vmem>>
    %dma_wait3A_956 = tpu.memref_squeeze %dma_wait3A_955 : memref<1x32x1024xf32, #tpu.memory_space<vmem>> -> memref<32x1024xf32, #tpu.memory_space<vmem>>
    tpu.wait_dma2 semaphore(%arg11 : memref<!tpu.dma_semaphore, #tpu.memory_space<semaphore_mem>>) src(%dma_wait3A_956 : memref<32x1024xf32, #tpu.memory_space<vmem>>) dst(%dma_wait3A_952 : memref<32x1024xf32, #tpu.memory_space<hbm>>)
    %dma_wait3A_957 = arith.constant 0 : i32
    %dma_wait3A_958 = arith.constant 0 : i32
    %dma_wait3A_959 = arith.constant 0 : i32
    %dma_wait3A_960 = tpu.memref_slice %arg5[%dma_wait3A_957, %dma_wait3A_958, %dma_wait3A_959] : memref<3x32x1024xf32, #tpu.memory_space<vmem>> -> memref<1x32x1024xf32, #tpu.memory_space<vmem>>
    %dma_wait3A_961 = tpu.memref_squeeze %dma_wait3A_960 : memref<1x32x1024xf32, #tpu.memory_space<vmem>> -> memref<32x1024xf32, #tpu.memory_space<vmem>>
    %dma_wait3A_962 = arith.constant 0 : i32
    %dma_wait3A_963 = tpu.memref_slice %arg3[%add3A_905, %dma_wait3A_962] : memref<8192x1024xf32, #tpu.memory_space<hbm>> -> memref<32x1024xf32, #tpu.memory_space<hbm>>
    %dma_wait3A_964 = arith.constant 0 : i32
    %dma_wait3A_965 = tpu.memref_slice %arg3[%add3A_905, %dma_wait3A_964] : memref<8192x1024xf32, #tpu.memory_space<hbm>> -> memref<32x1024xf32, #tpu.memory_space<hbm>>
    %dma_wait3A_966 = arith.constant 0 : i32
    %dma_wait3A_967 = arith.constant 0 : i32
    %dma_wait3A_968 = tpu.memref_slice %arg5[%dma_wait3A_957, %dma_wait3A_966, %dma_wait3A_967] : memref<3x32x1024xf32, #tpu.memory_space<vmem>> -> memref<1x32x1024xf32, #tpu.memory_space<vmem>>
    %dma_wait3A_969 = tpu.memref_squeeze %dma_wait3A_968 : memref<1x32x1024xf32, #tpu.memory_space<vmem>> -> memref<32x1024xf32, #tpu.memory_space<vmem>>
    tpu.wait_dma2 semaphore(%arg9 : memref<!tpu.dma_semaphore, #tpu.memory_space<semaphore_mem>>) src(%dma_wait3A_969 : memref<32x1024xf32, #tpu.memory_space<vmem>>) dst(%dma_wait3A_965 : memref<32x1024xf32, #tpu.memory_space<hbm>>)
    %dma_wait3A_970 = arith.constant 1 : i32
    %dma_wait3A_971 = arith.constant 0 : i32
    %dma_wait3A_972 = arith.constant 0 : i32
    %dma_wait3A_973 = tpu.memref_slice %arg5[%dma_wait3A_970, %dma_wait3A_971, %dma_wait3A_972] : memref<3x32x1024xf32, #tpu.memory_space<vmem>> -> memref<1x32x1024xf32, #tpu.memory_space<vmem>>
    %dma_wait3A_974 = tpu.memref_squeeze %dma_wait3A_973 : memref<1x32x1024xf32, #tpu.memory_space<vmem>> -> memref<32x1024xf32, #tpu.memory_space<vmem>>
    %dma_wait3A_975 = arith.constant 0 : i32
    %dma_wait3A_976 = tpu.memref_slice %arg3[%add3A_930, %dma_wait3A_975] : memref<8192x1024xf32, #tpu.memory_space<hbm>> -> memref<32x1024xf32, #tpu.memory_space<hbm>>
    %dma_wait3A_977 = arith.constant 0 : i32
    %dma_wait3A_978 = tpu.memref_slice %arg3[%add3A_930, %dma_wait3A_977] : memref<8192x1024xf32, #tpu.memory_space<hbm>> -> memref<32x1024xf32, #tpu.memory_space<hbm>>
    %dma_wait3A_979 = arith.constant 0 : i32
    %dma_wait3A_980 = arith.constant 0 : i32
    %dma_wait3A_981 = tpu.memref_slice %arg5[%dma_wait3A_970, %dma_wait3A_979, %dma_wait3A_980] : memref<3x32x1024xf32, #tpu.memory_space<vmem>> -> memref<1x32x1024xf32, #tpu.memory_space<vmem>>
    %dma_wait3A_982 = tpu.memref_squeeze %dma_wait3A_981 : memref<1x32x1024xf32, #tpu.memory_space<vmem>> -> memref<32x1024xf32, #tpu.memory_space<vmem>>
    tpu.wait_dma2 semaphore(%arg10 : memref<!tpu.dma_semaphore, #tpu.memory_space<semaphore_mem>>) src(%dma_wait3A_982 : memref<32x1024xf32, #tpu.memory_space<vmem>>) dst(%dma_wait3A_978 : memref<32x1024xf32, #tpu.memory_space<hbm>>)
    return
  }
}

</mosaic_0001>

<sc_bundles>
// kernel: kernel.3.cloned.1.call-start
scs
__scs_entry_jumppad:
0x0: {  	(pc) =	sbr.rel $0x88, $3  }
0x1: {  	(tag) =	ssettag $0x0;
	lr =	simm.s32 $0x1  }
0x2: {  	[smem:$0x3FA0] =	sst lr;
	_ =	strace $0xD0000000  }
0x3: {  	_ = 	snop  }
0x4: {  	_ = 	snop  }
0x5: {  	_ = 	snop  }
0x6: {  	_ = 	snop  }
0x7: {  	_ = 	snop  }
__scs_overlays_trampoline_lowered:
0x8: {  	[smem:$0x3FAF] =	sst s0  }
0x9: {  	[smem:$0x3FB0] =	sst s1  }
0xa: {  	[smem:$0x3FB1] =	sst s2  }
0xb: {  	[smem:$0x3FB2] =	sst s3  }
0xc: {  	[smem:$0x3FB3] =	sst s4  }
0xd: {  	[smem:$0x3FB4] =	sst s5  }
0xe: {  	[smem:$0x3FB5] =	sst s6  }
0xf: {  	[smem:$0x3FB6] =	sst s7  }
0x10: {  	[smem:$0x3FB7] =	sst s8  }
0x11: {  	[smem:$0x3FB8] =	sst s9;
	s0 =	simm.s32 @!p0 $0x0  }
0x12: {  	s1 =	sld [smem:$0x3F9E];
	s0 =	simm.s32 @p0 $0x1  }
0x13: {  	[smem:$0x3FB9] =	sst s0;
	s0 =	simm.s32 @!p1 $0x0  }
0x14: {  	s2 =	sld [smem:$0x3F9D];
	s0 =	simm.s32 @p1 $0x1  }
0x15: {  	[smem:$0x3FBA] =	sst s0;
	s0 =	simm.s32 @!p2 $0x0  }
0x16: {  	s3 =	sld [smem:$0x3FDB];
	s0 =	simm.s32 @p2 $0x1  }
0x17: {  	s4 =	simm.s32 $0x1BF5;
	[smem:$0x3FBC] =	sst s0  }
0x18: {  	s0 =	sld [smem:$0x3F9F];
	_ =	swait.ge [sflag:s4], $0x0  }
0x19: {  	s7 =	sld [smem:$0x3FA0]  }
0x1a: {  	s8 =	sadd.s32 $0xFFFFE003, lr  }
0x1b: {  	s9 =	sadd.s32 $0xFFFFFEF7, lr;
	s5 =	simm.s32 $0xFFFFFFFF;
	p2 =	slt.u32 s8, $0xFFFFF086  }
0x1c: {  	p1 =	slt.u32 s9, $0xF7A;
	s5 =	simm.s32 @!p2 $0x0  }
0x1d: {  	s5 =	simm.s32 @p1 $0x1;
	p0 =	seq.s32 s7, s2  }
0x1e: {  	s7 =	smul.u32 @!p0 $0xF7A, s2;
	p2 =	seq.s32 @!p0 s5, $0x0  }
0x1f: {  	s9 =	smul.u32 $0xF7A, s1;
	s8 =	simm.s32 @!p0 $0x1BF5;
	p2 =	por !p2, p0  }
0x20: {  	[sflag:s8] =	ssyncset.s32 @!p0 $0xFFFFF086;
	s6 =	sadd.s32 @!p0 s3, s7;
	s7 =	simm.s32 @!p0 $0x108  }
0x21: {  	s3 =	sadd.s32 s3, s9;
	s6 =	sadd.s32 @!p0 $0x88, s6;
	s7 =	simm.s32 @p2 $0x1082  }
0x22: {  	[simem:s7], [sflag:s8] =	dma.local @!p0 [hbm:s6], $0xF7A  }
0x23: {  	s9 =	sor.u32 $0xD0000000, s2;
	s6 =	simm.s32 $0x108;
	_ =	swait.ge @!p0 [sflag:s8], $0x0  }
0x24: {  	s3 =	sadd.s32 $0x88, s3;
	s6 =	simm.s32 @!p1 $0x1082;
	[sflag:s4] =	ssyncset.s32 $0xFFFFF086  }
0x25: {  	[simem:s6], [sflag:s4] =	dma.local [hbm:s3], $0xF7A  }
0x26: {  	[smem:$0x3FA0] =	sst s1;
	(tag) =	ssettag s2;
	_ =	strace s9  }
0x27: {  	s1 =	sld [smem:$0x3FB0]  }
0x28: {  	s2 =	sld [smem:$0x3FB1]  }
0x29: {  	s4 =	sld [smem:$0x3FB3]  }
0x2a: {  	p0 =	seq.s32 s5, $0x0;
	s5 =	sld [smem:$0x3FB4]  }
0x2b: {  	s6 =	sld [smem:$0x3FB5]  }
0x2c: {  	s7 =	sld [smem:$0x3FB6]  }
0x2d: {  	s3 =	simm.s32 $0x108;
	s8 =	sld [smem:$0x3FB7]  }
0x2e: {  	s3 =	simm.s32 @!p0 $0x1082;
	s9 =	sld [smem:$0x3FB8]  }
0x2f: {  	lr =	sadd.s32 s0, s3;
	s0 =	sld [smem:$0x3FAF]  }
0x30: {  	s3 =	sld [smem:$0x3FB2]  }
0x31: {  	[smem:$0x3FBB] =	sst s10  }
0x32: {  	s10 =	sld [smem:$0x3FB9];
	_ =	sdelay $0x3  }
0x33: {  	p0 =	seq.s32 s10, $0x1;
	s10 =	sld [smem:$0x3FBB];
	_ =	sdelay $0x3  }
0x34: {  	[smem:$0x3FBB] =	sst s10  }
0x35: {  	s10 =	sld [smem:$0x3FBA];
	_ =	sdelay $0x3  }
0x36: {  	p1 =	seq.s32 s10, $0x1;
	s10 =	sld [smem:$0x3FBB];
	_ =	sdelay $0x3  }
0x37: {  	[smem:$0x3FBB] =	sst s10  }
0x38: {  	s10 =	sld [smem:$0x3FBC]  }
0x39: {  	_ = 	snop;
	(pc) =	sbr.ind lr, $3  }
0x3a: {  	_ = 	snop  }
0x3b: {  	_ = 	snop  }
0x3c: {  	p2 =	seq.s32 s10, $0x1;
	s10 =	sld [smem:$0x3FBB]  }
0x3d: {  	_ =	shalt  }
0x3e: {  	_ =	shalt  }
0x3f: {  	_ =	shalt  }
0x40: {  	_ =	shalt  }
0x41: {  	_ =	shalt  }
0x42: {  	_ =	shalt  }
0x43: {  	_ =	shalt  }
0x44: {  	_ =	shalt  }
0x45: {  	_ =	shalt  }
0x46: {  	_ =	shalt  }
0x47: {  	_ =	shalt  }
0x48: {  	_ =	shalt  }
0x49: {  	_ =	shalt  }
0x4a: {  	_ =	shalt  }
0x4b: {  	_ =	shalt  }
0x4c: {  	_ =	shalt  }
0x4d: {  	_ =	shalt  }
0x4e: {  	_ =	shalt  }
0x4f: {  	_ =	shalt  }
0x50: {  	_ =	shalt  }
0x51: {  	_ =	shalt  }
0x52: {  	_ =	shalt  }
0x53: {  	_ =	shalt  }
0x54: {  	_ =	shalt  }
0x55: {  	_ =	shalt  }
0x56: {  	_ =	shalt  }
0x57: {  	_ =	shalt  }
0x58: {  	_ =	shalt  }
0x59: {  	_ =	shalt  }
0x5a: {  	_ =	shalt  }
0x5b: {  	_ =	shalt  }
0x5c: {  	_ =	shalt  }
0x5d: {  	_ =	shalt  }
0x5e: {  	_ =	shalt  }
0x5f: {  	_ =	shalt  }
0x60: {  	_ =	shalt  }
0x61: {  	_ =	shalt  }
0x62: {  	_ =	shalt  }
0x63: {  	_ =	shalt  }
0x64: {  	_ =	shalt  }
0x65: {  	_ =	shalt  }
0x66: {  	_ =	shalt  }
0x67: {  	_ =	shalt  }
0x68: {  	_ =	shalt  }
0x69: {  	_ =	shalt  }
0x6a: {  	_ =	shalt  }
0x6b: {  	_ =	shalt  }
0x6c: {  	_ =	shalt  }
0x6d: {  	_ =	shalt  }
0x6e: {  	_ =	shalt  }
0x6f: {  	_ =	shalt  }
0x70: {  	_ =	shalt  }
0x71: {  	_ =	shalt  }
0x72: {  	_ =	shalt  }
0x73: {  	_ =	shalt  }
0x74: {  	_ =	shalt  }
0x75: {  	_ =	shalt  }
0x76: {  	_ =	shalt  }
0x77: {  	_ =	shalt  }
0x78: {  	_ =	shalt  }
0x79: {  	_ =	shalt  }
0x7a: {  	_ =	shalt  }
0x7b: {  	_ =	shalt  }
0x7c: {  	_ =	shalt  }
0x7d: {  	_ =	shalt  }
0x7e: {  	_ =	shalt  }
0x7f: {  	_ =	shalt  }
0x80: {  	_ =	shalt  }
0x81: {  	_ =	shalt  }
0x82: {  	_ =	shalt  }
0x83: {  	_ =	shalt  }
0x84: {  	_ =	shalt  }
0x85: {  	_ =	shalt  }
0x86: {  	_ =	shalt  }
0x87: {  	_ =	shalt  }
.Lfunc_end0:
.L_simem_size_0:
called_computation_lowered:
.L_overlay_start_0:
0x88: {  	s2 =	sld [smem:$0x3FD9]  }
0x89: {  	s3 =	sld [smem:$0x3FFE];
	_ =	sdelay $0x1  }
0x8a: {  	s1 =	srdreg.scid  }
0x8b: {  	s0 =	sand.u32 $0x1, s1  }
0x8c: {  	s18 =	sshll.u32 s0, $0xA;
	s2 =	sadd.s32 s3, s2  }
0x8d: {  	s2 =	sadd.s32 s2, s18  }
0x8e: {  	[smem:$0x3FC7] =	sst s2  }
0x8f: {  	_ = 	snop  }
0x90: {  	s2 =	sld [smem:$0x3FC9]  }
0x91: {  	s19 =	sld [smem:$0x3FD0];
	(tm) =	ssettm $0x1  }
0x92: {  	s4 =	sld [smem:$0x3FFB];
	_ =	sdelay $0x3  }
0x93: {  	_ =	strace s4  }
0x94: {  	s4 =	sld [smem:$0x3FFC];
	_ =	sdelay $0x3  }
0x95: {  	_ =	strace s4  }
0x96: {  	s4 =	sld [smem:$0x3FFD];
	_ =	sdelay $0x3  }
0x97: {  	_ =	strace s4  }
0x98: {  	_ =	strace $0x8FFFFFFF  }
0x99: {  	s20 =	sld [smem:$0x3FDB];
	_ =	sdelay $0x1  }
0x9a: {  	s5 =	simm.s32 $_scs_section_size  }
0x9b: {  	s6 =	simm.s32 $_size__tile_overlayer_lowered;
	s7 =	simm.s32 $_tile_overlayer_lowered  }
0x9c: {  	s23 =	simm.s32 $0x1BFF;
	s22 =	sshll.u32 s7, $0x1;
	s4 =	sadd.s32 s5, s20  }
0x9d: {  	s8 =	simm.s32 $0x0;
	s21 =	sshll.u32 s6, $0x1;
	s6 =	sadd.s32 s22, s4  }
0x9e: {  	[timem:s8], [sflag:s23] =	dma.local [hbm:s6], s21  }
0x9f: {  	_ =	swait.ge [sflag:s23], s21  }
0xa0: {  	s5 =	ssub.s32 $0x0, s21;
	[sflag:s23] =	ssyncset.done $0x0  }
0xa1: {  	[sflag:s23] =	ssyncadd.s32 s5;
	_ =	sdelay $0x1  }
0xa2: {  	s24 =	simm.s32 $0x1B8B  }
0xa3: {  	_ =	swait.ge [sflag:s24], $0x1  }
0xa4: {  	[sflag:s24] =	ssyncset.done $0x0  }
0xa5: {  	s25 =	simm.s32 $0x1B8E;
	[sflag:s24] =	ssyncadd.s32 $0xFFFFFFFF  }
0xa6: {  	s26 =	simm.s32 $execute0_lowered;
	[smem:$0x3FD2] =	sst s25  }
0xa7: {  	s5 =	sshll.u32 s26, $0x1;
	_ =	strace $0x80000046;
	[dreg:$0x1] =	wrdreg $0xFFFFFFFF  }
0xa8: {  	s28 =	simm.s32 $_size_execute0_lowered;
	s4 =	sadd.s32 s4, s5;
	[dreg:$0x0] =	wrdreg $0x0  }
0xa9: {  	s5 =	sshll.u32 s28, $0x1;
	[dreg:$0x2] =	wrdreg s4  }
0xaa: {  	[dreg:$0x3] =	wrdreg s5  }
0xab: {  	[dreg:$0x4] =	wrdreg $0xC0  }
0xac: {  	_ =	task [dreg:s8], $0x5FFFF  }
0xad: {  	[dreg:$0x1] =	wrdreg $0xFFFFFFFF  }
0xae: {  	[dreg:$0x0] =	wrdreg $0x60  }
0xaf: {  	[dreg:$0x2] =	wrdreg s2  }
0xb0: {  	[dreg:$0x3] =	wrdreg s19  }
0xb1: {  	[dreg:$0x4] =	wrdreg $0x9  }
0xb2: {  	_ =	task.clear_ibuf [dreg:s8], $0x5FFFF;
	_ =	strace $0x90000046  }
0xb3: {  	s29 =	simm.s32 $0x9;
	_ =	strace $0x80000048  }
0xb4: {  	_ =	swait.ge [sflag:s29], $0x1  }
0xb5: {  	[sflag:s29] =	ssyncadd.s32 $0xFFFFFFFF  }
0xb6: {  	_ =	strace $0x90000048  }
0xb7: {  	_ =	sfence  }
0xb8: {  	s30 =	sld [smem:$0x0];
	_ =	sdelay $0x2  }
0xb9: {  	s31 =	sshll.u32 s1, $0xD;
	s1 =	sshrl.u32 s1, $0x2  }
0xba: {  	s3 =	sand.u32 $0x4000, s31;
	s1 =	sadd.s32 s1, s30  }
0xbb: {  	s0 =	sor.u32 s3, s0;
	s1 =	sshll.u32 s1, $0x11  }
0xbc: {  	s0 =	sor.u32 s1, s0  }
0xbd: {  	s0 =	sadd.s32 $0x8F2B, s0  }
0xbe: {  	[sflag:s0] =	ssyncadd.remote.s32 $0x1  }
0xbf: {  	_ =	sfence.sel $0xFFFF  }
0xc0: {  	[dreg:$0x0] =	wrdreg $0xFFFFFFFF;
	(pc) =	sbr.abs _section_cstart, $3  }
0xc1: {  	[dreg:$0x1] =	wrdreg $0xFFFFFFFF  }
0xc2: {  	_ =	task.clear_ibuf [dreg:s8], $0x2FFFF;
	_ =	strace $0x9FFFFFFF  }
0xc3: {  	(tm) =	ssettm $0x7FFFFFFF  }
tec
execute0_lowered:
.L_overlay_start_1:
0x0: {  	(tag) =	ssettag $0x1  }
0x1: {  	s0 =	srdreg.scid;
	s3 =	stileid.u32;
	v14 =	vlaneseq.u32  }
0x2: {  	vm0 =	vmmov $0xffff;
	s4 =	sand.u32 $0x1, s0;
	s22 =	sshll.u32 s3, $0x1;
	v15 =	vshrl.u32 v14, $0x3;
	s24 =	sand.u32 $0x8, s3  }
0x3: {  	s7 =	sor.u32 s4, s22;
	v2 =	vmul.u32 $0xFFFFFFFF, v15;
	s8 =	sadd.s32 $0x8, s24;
	v3 =	vor.u32 $0x2, v15;
	v4 =	vor.u32 $0x4, v15  }
0x4: {  	s1 =	simm.s32 $0x5;
	s2 =	simm.s32 $0x80;
	v16 =	vor.u32 $0xE, v15;
	s5 =	sshll.u32 s7, $0x8;
	v4 =	vmul.u32 s8, v4;
	v3 =	vmul.u32 s8, v3  }
0x5: {  	s23 =	sshrl.u32 s3, $0x2;
	v16 =	vmul.u32 s8, v16;
	v0 =	vmov s5;
	s10 =	sor.u32 $0x20, s5;
	v2 =	vand.u32 s8, v2;
	s11 =	sor.u32 $0x40, s5  }
0x6: {  	p1 =	seq.s32 s23, $0x2;
	s17 =	sor.u32 $0xC0, s5;
	s20 =	sor.u32 $0xF0, s5;
	v0 =	vshrl.u32 v0, $0x7;
	v1 =	vmov s10;
	v5 =	vmov s11  }
0x7: {  	p0 =	seq.s32 s23, $0x0;
	p2 =	seq.s32 s23, $0x1;
	s1 =	simm.s32 @!p1 $0x1;
	v19 =	vmov s17;
	v21 =	vmov s20;
	v0 =	vand.u32 $0xE, v0  }
0x8: {  	s2 =	simm.s32 @!p0 $0x100;
	s1 =	simm.s32 @p2 $0x40;
	v1 =	vshrl.u32 v1, $0x7;
	v5 =	vshrl.u32 v5, $0x7;
	v19 =	vshrl.u32 v19, $0x7  }
0x9: {  	s0 =	sshll.u32 s23, $0xC;
	s1 =	simm.s32 @p0 $0x600;
	v21 =	vshrl.u32 v21, $0x7;
	v0 =	vmul.u32 s2, v0;
	v1 =	vand.u32 $0xE, v1  }
0xa: {  	s0 =	sor.u32 s0, s1;
	v5 =	vand.u32 $0xE, v5;
	v21 =	vand.u32 $0xF, v21;
	v1 =	vmul.u32 s2, v1  }
0xb: {  	v19 =	vand.u32 $0xF, v19;
	v21 =	vmul.u32 s2, v21;
	v0 =	vadd.s32 s0, v0  }
0xc: {  	v17 =	vbroadcast v0, $0x0;
	v0 =	vand.u32 $0x7, v14;
	v1 =	vadd.s32 s0, v1  }
0xd: {  	v21 =	vadd.s32 s0, v21;
	v7 =	vor.u32 v0, v2;
	v2 =	vmul.u32 s2, v5  }
0xe: {  	s12 =	sor.u32 $0x60, s5;
	s13 =	sor.u32 $0x80, s5;
	v14 =	vor.u32 $0x8, v14;
	v6 =	vor.u32 v0, v3;
	v3 =	vor.u32 $0x6, v15  }
0xf: {  	v5 =	vmov s13;
	v9 =	vadd.s32 s0, v2;
	v2 =	vmov s12  }
0x10: {  	v8 =	vmul.u32 s8, v3;
	v3 =	vor.u32 $0x8, v15;
	v2 =	vshrl.u32 v2, $0x7  }
0x11: {  	v10 =	vmul.u32 s8, v3;
	v3 =	vshrl.u32 v5, $0x7;
	v2 =	vand.u32 $0xE, v2  }
0x12: {  	v5 =	vor.u32 $0xA, v15;
	v3 =	vand.u32 $0xF, v3;
	v2 =	vmul.u32 s2, v2  }
0x13: {  	s15 =	sor.u32 $0xA0, s5;
	v1 =	vbroadcast v1, $0x0;
	v11 =	vmul.u32 s8, v5;
	v3 =	vmul.u32 s2, v3  }
0x14: {  	v5 =	vor.u32 $0xC, v15;
	v12 =	vadd.s32 s0, v2;
	v2 =	vmov s15  }
0x15: {  	s14 =	sor.u32 $0x90, s5;
	v13 =	vmul.u32 s8, v5;
	v3 =	vadd.s32 s0, v3;
	v2 =	vshrl.u32 v2, $0x7  }
0x16: {  	v5 =	vmov s14;
	v3 =	vbroadcast v3, $0x0;
	v2 =	vand.u32 $0xF, v2  }
0x17: {  	v4 =	vor.u32 v0, v4;
	v5 =	vshrl.u32 v5, $0x7;
	v18 =	vmul.u32 s2, v2  }
0x18: {  	s6 =	rddreg [dreg:$0x1];
	s28 =	simm.s32 $0x16100;
	s16 =	sor.u32 $0xB0, s5;
	v1 =	vadd.s32 v1, v4;
	v5 =	vand.u32 $0xF, v5;
	v2 =	vadd.s32 v3, v7  }
0x19: {  	s29 =	simm.s32 $0x16900;
	s30 =	simm.s32 $0x17100;
	s4 =	ssub.s32 $0x2, s4;
	v3 =	vmul.u32 s2, v5;
	v5 =	vadd.s32 s0, v18;
	v18 =	vmov s16  }
0x1a: {  	s31 =	simm.s32 $0x17900;
	s3 =	simm.s32 $0x0;
	s9 =	sshrl.u32 s4, $0x1;
	v8 =	vor.u32 v0, v8;
	v5 =	vbroadcast v5, $0x0;
	v18 =	vshrl.u32 v18, $0x7  }
0x1b: {  	[smem:$0x7FF] =	sst s3;
	s7 =	sshll.u32 s7, $0xF;
	s9 =	ssub.s32 s4, s9;
	v9 =	vbroadcast v9, $0x0;
	v15 =	vmul.u32 $0x8, v15;
	v18 =	vand.u32 $0xF, v18  }
0x1c: {  	s4 =	simm.s32 $0x5;
	s18 =	sor.u32 $0xD0, s5;
	s19 =	sor.u32 $0xE0, s5;
	v20 =	vadd.s32 s0, v3;
	v3 =	vadd.s32 v5, v4;
	v4 =	vmul.u32 s2, v18  }
0x1d: {  	s25 =	sadd.s32 s6, s7;
	s26 =	sshll.u32 s10, $0x7;
	s10 =	sshll.u32 s11, $0x7;
	v5 =	vmul.u32 s2, v19;
	v18 =	vmov s18;
	v19 =	vmov s19  }
0x1e: {  	s21 =	sshll.u32 s13, $0x7;
	s23 =	sshll.u32 s15, $0x7;
	s1 =	rddreg [dreg:$0x0];
	v13 =	vor.u32 v0, v13;
	v18 =	vshrl.u32 v18, $0x7;
	v19 =	vshrl.u32 v19, $0x7  }
0x1f: {  	s20 =	simm.s32 $0x4;
	_ =	strace $0x80000047;
	[dreg:$0x3] =	wrdreg s25;
	v20 =	vbroadcast v20, $0x0;
	v18 =	vand.u32 $0xF, v18;
	v19 =	vand.u32 $0xF, v19  }
0x20: {  	s7 =	sadd.s32 s6, s26;
	s11 =	sadd.s32 s6, s10;
	s22 =	sadd.s32 s6, s21;
	v22 =	vadd.s32 s0, v4;
	v23 =	vadd.s32 s0, v5;
	v4 =	vadd.s32 v17, v7  }
0x21: {  	s24 =	sadd.s32 s6, s23;
	s25 =	sshll.u32 s17, $0x7;
	[dreg:$0x4] =	wrdreg s7;
	v5 =	vadd.s32 v20, v6;
	v6 =	vadd.s32 v17, v6;
	v20 =	vor.u32 v0, v10  }
0x22: {  	s26 =	sshll.u32 s19, $0x7;
	s21 =	simm.s32 $0x2;
	[dreg:$0x5] =	wrdreg s11;
	v10 =	vbroadcast v12, $0x0;
	v18 =	vmul.u32 s2, v18;
	v19 =	vmul.u32 s2, v19  }
0x23: {  	s23 =	simm.s32 $0x6;
	s10 =	simm.s32 $0x11900;
	[dreg:$0x7] =	wrdreg s22;
	v7 =	vbroadcast v22, $0x0;
	v9 =	vadd.s32 v9, v20;
	v22 =	vor.u32 v0, v11  }
0x24: {  	s17 =	simm.s32 $0x15100;
	[dreg:$0x8] =	wrdreg s24;
	s7 =	sadd.s32 s6, s25;
	v11 =	vbroadcast v23, $0x0;
	v18 =	vadd.s32 s0, v18;
	v19 =	vadd.s32 s0, v19  }
0x25: {  	s5 =	sadd.s32 $0x100, s1;
	s25 =	simm.s32 $0x100;
	s22 =	simm.s32 $0x10900;
	v12 =	vbroadcast v18, $0x0;
	v18 =	vor.u32 v0, v16;
	v16 =	vbroadcast v19, $0x0  }
0x26: {  	s11 =	simm.s32 $0x12100;
	[dreg:$0x9] =	wrdreg s7;
	s12 =	sshll.u32 s12, $0x7;
	v10 =	vadd.s32 v10, v13;
	v7 =	vadd.s32 v7, v8;
	v19 =	vshll.u32 v4, $0x3  }
0x27: {  	s7 =	sadd.s32 $0x300, s1;
	s13 =	simm.s32 $0x13100;
	s14 =	sadd.s32 s6, s12;
	v19 =	vand.u32 $0xFFFFFFC0, v19;
	v13 =	vadd.s32 v16, v13;
	v16 =	vand.u32 $0x7, v4  }
0x28: {  	s8 =	sadd.s32 s6, s26;
	s6 =	sadd.s32 $0x200, s1;
	[dreg:$0x6] =	wrdreg s14;
	v11 =	vadd.s32 v11, v20;
	v20 =	vbroadcast v21, $0x0;
	v16 =	vor.u32 v16, v19  }
0x29: {  	s26 =	simm.s32 $0x3;
	s12 =	simm.s32 $0x12900;
	[dreg:$0xa] =	wrdreg s8;
	v8 =	vadd.s32 v17, v8;
	v19 =	vperm.xlane v16, v0;
	v21 =	vperm.xlane v16, v14  }
0x2a: {  	s8 =	smax.u32 s9, $0x1;
	s14 =	simm.s32 $0x13900;
	s15 =	simm.s32 $0x14100;
	v12 =	vadd.s32 v12, v22;
	v16 =	vadd.s32 v17, v22;
	v17 =	vadd.s32 v17, v18  }
0x2b: {  	s16 =	simm.s32 $0x14900;
	s19 =	simm.s32 $0x1;
	s18 =	simm.s32 $0x15900;
	v18 =	vadd.s32 v20, v18;
	v19 =	vadd.s32 v15, v19;
	v20 =	vadd.s32 v15, v21  }
.LBB2_1:
0x2c: {  	[tilespmem:$0x0] =	vst v4  }
0x2d: {  	[tilespmem:$0x10] =	vst v6  }
0x2e: {  	[tilespmem:$0x20] =	vst v1  }
0x2f: {  	[tilespmem:$0x30] =	vst v8  }
0x30: {  	[tilespmem:$0x40] =	vst v9  }
0x31: {  	[tilespmem:$0x50] =	vst v16  }
0x32: {  	[tilespmem:$0x60] =	vst v10  }
0x33: {  	[tilespmem:$0x70] =	vst v17  }
0x34: {  	[tilespmem:$0x80] =	vst v2  }
0x35: {  	[tilespmem:$0x90] =	vst v5  }
0x36: {  	[tilespmem:$0xA0] =	vst v3  }
0x37: {  	[tilespmem:$0xB0] =	vst v7  }
0x38: {  	[tilespmem:$0xC0] =	vst v11  }
0x39: {  	[tilespmem:$0xD0] =	vst v12  }
0x3a: {  	[tilespmem:$0xE0] =	vst v13  }
0x3b: {  	[tilespmem:$0xF0] =	vst v18  }
0x3c: {  	[tilespmem:s25], [sflag:$0x1] =	stream.indirect_vreg.gather [hbm4b:s1+s3], $0x80, v19, vm0, $0xb8;
	[tilespmem:$0x18100] =	vst v63  }
0x3d: {  	s0 =	simm.s32 $0x900  }
0x3e: {  	[tilespmem:s0], [sflag:$0x1] =	stream.indirect_vreg.gather [hbm4b:s5+s3], $0x80, v19, vm0, $0xb8;
	[tilespmem:$0x18100] =	vst v63  }
0x3f: {  	s24 =	simm.s32 $0x1100  }
0x40: {  	[tilespmem:s24], [sflag:$0x1] =	stream.indirect_vreg.gather [hbm4b:s6+s3], $0x80, v19, vm0, $0xb8;
	[tilespmem:$0x18100] =	vst v63  }
0x41: {  	s2 =	simm.s32 $0x1900  }
0x42: {  	[tilespmem:s2], [sflag:$0x1] =	stream.indirect_vreg.gather [hbm4b:s7+s3], $0x80, v19, vm0, $0xb8;
	[tilespmem:$0x18100] =	vst v63  }
0x43: {  	s9 =	simm.s32 $0x2100  }
0x44: {  	[tilespmem:s9], [sflag:$0x1] =	stream.indirect_vreg.gather [hbm4b:s1+s3], $0x80, v20, vm0, $0xb8;
	[tilespmem:$0x18100] =	vst v63  }
0x45: {  	s24 =	simm.s32 $0x2900  }
0x46: {  	[tilespmem:s24], [sflag:$0x1] =	stream.indirect_vreg.gather [hbm4b:s5+s3], $0x80, v20, vm0, $0xb8;
	[tilespmem:$0x18100] =	vst v63  }
0x47: {  	s2 =	simm.s32 $0x3100  }
0x48: {  	[tilespmem:s2], [sflag:$0x1] =	stream.indirect_vreg.gather [hbm4b:s6+s3], $0x80, v20, vm0, $0xb8;
	[tilespmem:$0x18100] =	vst v63  }
0x49: {  	s9 =	simm.s32 $0x3900  }
0x4a: {  	[tilespmem:s9], [sflag:$0x1] =	stream.indirect_vreg.gather [hbm4b:s7+s3], $0x80, v20, vm0, $0xb8;
	[tilespmem:$0x18100] =	vst v63  }
0x4b: {  	v21 =	vld [tilespmem:$0x10];
	_ =	sdelay $0x4  }
0x4c: {  	v22 =	vshll.u32 v21, $0x3  }
0x4d: {  	v21 =	vand.u32 $0x7, v21;
	v22 =	vand.u32 $0xFFFFFFC0, v22  }
0x4e: {  	v21 =	vor.u32 v21, v22  }
0x4f: {  	v22 =	vperm.xlane v21, v0;
	_ =	sdelay $0x1  }
0x50: {  	v22 =	vadd.s32 v15, v22;
	_ =	sdelay $0x3  }
0x51: {  	s24 =	simm.s32 $0x4100  }
0x52: {  	[tilespmem:s24], [sflag:$0x1] =	stream.indirect_vreg.gather [hbm4b:s1+s3], $0x80, v22, vm0, $0xb8;
	[tilespmem:$0x18100] =	vst v63  }
0x53: {  	s2 =	simm.s32 $0x4900;
	v21 =	vperm.xlane v21, v14  }
0x54: {  	[tilespmem:s2], [sflag:$0x1] =	stream.indirect_vreg.gather [hbm4b:s5+s3], $0x80, v22, vm0, $0xb8;
	[tilespmem:$0x18100] =	vst v63  }
0x55: {  	s9 =	simm.s32 $0x5100;
	v21 =	vadd.s32 v15, v21  }
0x56: {  	[tilespmem:s9], [sflag:$0x1] =	stream.indirect_vreg.gather [hbm4b:s6+s3], $0x80, v22, vm0, $0xb8;
	[tilespmem:$0x18100] =	vst v63  }
0x57: {  	s24 =	simm.s32 $0x5900  }
0x58: {  	[tilespmem:s24], [sflag:$0x1] =	stream.indirect_vreg.gather [hbm4b:s7+s3], $0x80, v22, vm0, $0xb8;
	[tilespmem:$0x18100] =	vst v63  }
0x59: {  	s2 =	simm.s32 $0x6100  }
0x5a: {  	[tilespmem:s2], [sflag:$0x1] =	stream.indirect_vreg.gather [hbm4b:s1+s3], $0x80, v21, vm0, $0xb8;
	[tilespmem:$0x18100] =	vst v63  }
0x5b: {  	s9 =	simm.s32 $0x6900  }
0x5c: {  	[tilespmem:s9], [sflag:$0x1] =	stream.indirect_vreg.gather [hbm4b:s5+s3], $0x80, v21, vm0, $0xb8;
	[tilespmem:$0x18100] =	vst v63  }
0x5d: {  	s24 =	simm.s32 $0x7100  }
0x5e: {  	[tilespmem:s24], [sflag:$0x1] =	stream.indirect_vreg.gather [hbm4b:s6+s3], $0x80, v21, vm0, $0xb8;
	[tilespmem:$0x18100] =	vst v63  }
0x5f: {  	s2 =	simm.s32 $0x7900  }
0x60: {  	[tilespmem:s2], [sflag:$0x1] =	stream.indirect_vreg.gather [hbm4b:s7+s3], $0x80, v21, vm0, $0xb8;
	[tilespmem:$0x18100] =	vst v63  }
0x61: {  	v21 =	vld [tilespmem:$0x20];
	_ =	sdelay $0x4  }
0x62: {  	v22 =	vshll.u32 v21, $0x3  }
0x63: {  	v21 =	vand.u32 $0x7, v21;
	v22 =	vand.u32 $0xFFFFFFC0, v22  }
0x64: {  	v21 =	vor.u32 v21, v22  }
0x65: {  	v22 =	vperm.xlane v21, v0;
	_ =	sdelay $0x1  }
0x66: {  	v22 =	vadd.s32 v15, v22;
	_ =	sdelay $0x3  }
0x67: {  	s0 =	simm.s32 $0x8100  }
0x68: {  	[tilespmem:s0], [sflag:$0x2] =	stream.indirect_vreg.gather [hbm4b:s1+s3], $0x80, v22, vm0, $0xb8;
	[tilespmem:$0x18100] =	vst v63  }
0x69: {  	s2 =	simm.s32 $0x8900;
	v21 =	vperm.xlane v21, v14  }
0x6a: {  	[tilespmem:s2], [sflag:$0x2] =	stream.indirect_vreg.gather [hbm4b:s5+s3], $0x80, v22, vm0, $0xb8;
	[tilespmem:$0x18100] =	vst v63  }
0x6b: {  	s9 =	simm.s32 $0x9100;
	v21 =	vadd.s32 v15, v21  }
0x6c: {  	[tilespmem:s9], [sflag:$0x2] =	stream.indirect_vreg.gather [hbm4b:s6+s3], $0x80, v22, vm0, $0xb8;
	[tilespmem:$0x18100] =	vst v63  }
0x6d: {  	s24 =	simm.s32 $0x9900  }
0x6e: {  	[tilespmem:s24], [sflag:$0x2] =	stream.indirect_vreg.gather [hbm4b:s7+s3], $0x80, v22, vm0, $0xb8;
	[tilespmem:$0x18100] =	vst v63  }
0x6f: {  	s9 =	simm.s32 $0xA100  }
0x70: {  	[tilespmem:s9], [sflag:$0x2] =	stream.indirect_vreg.gather [hbm4b:s1+s3], $0x80, v21, vm0, $0xb8;
	[tilespmem:$0x18100] =	vst v63  }
0x71: {  	s24 =	simm.s32 $0xA900  }
0x72: {  	[tilespmem:s24], [sflag:$0x2] =	stream.indirect_vreg.gather [hbm4b:s5+s3], $0x80, v21, vm0, $0xb8;
	[tilespmem:$0x18100] =	vst v63  }
0x73: {  	s9 =	simm.s32 $0xB100  }
0x74: {  	[tilespmem:s9], [sflag:$0x2] =	stream.indirect_vreg.gather [hbm4b:s6+s3], $0x80, v21, vm0, $0xb8;
	[tilespmem:$0x18100] =	vst v63  }
0x75: {  	s24 =	simm.s32 $0xB900  }
0x76: {  	[tilespmem:s24], [sflag:$0x2] =	stream.indirect_vreg.gather [hbm4b:s7+s3], $0x80, v21, vm0, $0xb8;
	[tilespmem:$0x18100] =	vst v63  }
0x77: {  	v21 =	vld [tilespmem:$0x30];
	_ =	sdelay $0x4  }
0x78: {  	v22 =	vshll.u32 v21, $0x3  }
0x79: {  	v21 =	vand.u32 $0x7, v21;
	v22 =	vand.u32 $0xFFFFFFC0, v22  }
0x7a: {  	v21 =	vor.u32 v21, v22  }
0x7b: {  	v22 =	vperm.xlane v21, v0;
	_ =	sdelay $0x1  }
0x7c: {  	v22 =	vadd.s32 v15, v22;
	_ =	sdelay $0x3  }
0x7d: {  	s9 =	simm.s32 $0xC100  }
0x7e: {  	[tilespmem:s9], [sflag:$0x2] =	stream.indirect_vreg.gather [hbm4b:s1+s3], $0x80, v22, vm0, $0xb8;
	[tilespmem:$0x18100] =	vst v63  }
0x7f: {  	s24 =	simm.s32 $0xC900;
	v21 =	vperm.xlane v21, v14  }
0x80: {  	[tilespmem:s24], [sflag:$0x2] =	stream.indirect_vreg.gather [hbm4b:s5+s3], $0x80, v22, vm0, $0xb8;
	[tilespmem:$0x18100] =	vst v63  }
0x81: {  	v21 =	vadd.s32 v15, v21;
	s9 =	simm.s32 $0xD100  }
0x82: {  	[tilespmem:s9], [sflag:$0x2] =	stream.indirect_vreg.gather [hbm4b:s6+s3], $0x80, v22, vm0, $0xb8;
	[tilespmem:$0x18100] =	vst v63  }
0x83: {  	s24 =	simm.s32 $0xD900  }
0x84: {  	[tilespmem:s24], [sflag:$0x2] =	stream.indirect_vreg.gather [hbm4b:s7+s3], $0x80, v22, vm0, $0xb8;
	[tilespmem:$0x18100] =	vst v63  }
0x85: {  	s9 =	simm.s32 $0xE100  }
0x86: {  	[tilespmem:s9], [sflag:$0x2] =	stream.indirect_vreg.gather [hbm4b:s1+s3], $0x80, v21, vm0, $0xb8;
	[tilespmem:$0x18100] =	vst v63  }
0x87: {  	s24 =	simm.s32 $0xE900  }
0x88: {  	[tilespmem:s24], [sflag:$0x2] =	stream.indirect_vreg.gather [hbm4b:s5+s3], $0x80, v21, vm0, $0xb8;
	[tilespmem:$0x18100] =	vst v63  }
0x89: {  	s9 =	simm.s32 $0xF100  }
0x8a: {  	[tilespmem:s9], [sflag:$0x2] =	stream.indirect_vreg.gather [hbm4b:s6+s3], $0x80, v21, vm0, $0xb8;
	[tilespmem:$0x18100] =	vst v63  }
0x8b: {  	s24 =	simm.s32 $0xF900  }
0x8c: {  	[tilespmem:s24], [sflag:$0x2] =	stream.indirect_vreg.gather [hbm4b:s7+s3], $0x80, v21, vm0, $0xb8;
	[tilespmem:$0x18100] =	vst v63  }
0x8d: {  	v21 =	vld [tilespmem:$0x40];
	_ =	sdelay $0x4  }
0x8e: {  	v22 =	vshll.u32 v21, $0x3  }
0x8f: {  	v21 =	vand.u32 $0x7, v21;
	v22 =	vand.u32 $0xFFFFFFC0, v22  }
0x90: {  	v21 =	vor.u32 v21, v22  }
0x91: {  	v22 =	vperm.xlane v21, v0;
	_ =	sdelay $0x1  }
0x92: {  	v22 =	vadd.s32 v15, v22;
	_ =	sdelay $0x3  }
0x93: {  	s2 =	simm.s32 $0x10100  }
0x94: {  	[tilespmem:s2], [sflag:$0x3] =	stream.indirect_vreg.gather [hbm4b:s1+s3], $0x80, v22, vm0, $0xb8;
	[tilespmem:$0x18100] =	vst v63  }
0x95: {  	v21 =	vperm.xlane v21, v14  }
0x96: {  	[tilespmem:s22], [sflag:$0x3] =	stream.indirect_vreg.gather [hbm4b:s5+s3], $0x80, v22, vm0, $0xb8;
	[tilespmem:$0x18100] =	vst v63  }
0x97: {  	s9 =	simm.s32 $0x11100;
	v21 =	vadd.s32 v15, v21  }
0x98: {  	[tilespmem:s9], [sflag:$0x3] =	stream.indirect_vreg.gather [hbm4b:s6+s3], $0x80, v22, vm0, $0xb8;
	[tilespmem:$0x18100] =	vst v63  }
0x99: {  	_ = 	snop  }
0x9a: {  	[tilespmem:s10], [sflag:$0x3] =	stream.indirect_vreg.gather [hbm4b:s7+s3], $0x80, v22, vm0, $0xb8;
	[tilespmem:$0x18100] =	vst v63  }
0x9b: {  	_ = 	snop  }
0x9c: {  	[tilespmem:s11], [sflag:$0x3] =	stream.indirect_vreg.gather [hbm4b:s1+s3], $0x80, v21, vm0, $0xb8;
	[tilespmem:$0x18100] =	vst v63  }
0x9d: {  	_ = 	snop  }
0x9e: {  	[tilespmem:s12], [sflag:$0x3] =	stream.indirect_vreg.gather [hbm4b:s5+s3], $0x80, v21, vm0, $0xb8;
	[tilespmem:$0x18100] =	vst v63  }
0x9f: {  	_ = 	snop  }
0xa0: {  	[tilespmem:s13], [sflag:$0x3] =	stream.indirect_vreg.gather [hbm4b:s6+s3], $0x80, v21, vm0, $0xb8;
	[tilespmem:$0x18100] =	vst v63  }
0xa1: {  	_ = 	snop  }
0xa2: {  	[tilespmem:s14], [sflag:$0x3] =	stream.indirect_vreg.gather [hbm4b:s7+s3], $0x80, v21, vm0, $0xb8;
	[tilespmem:$0x18100] =	vst v63  }
0xa3: {  	v21 =	vld [tilespmem:$0x50];
	_ =	sdelay $0x4  }
0xa4: {  	v22 =	vshll.u32 v21, $0x3  }
0xa5: {  	v21 =	vand.u32 $0x7, v21;
	v22 =	vand.u32 $0xFFFFFFC0, v22  }
0xa6: {  	v21 =	vor.u32 v21, v22  }
0xa7: {  	v22 =	vperm.xlane v21, v0;
	_ =	sdelay $0x1  }
0xa8: {  	v22 =	vadd.s32 v15, v22;
	_ =	sdelay $0x4  }
0xa9: {  	[tilespmem:s15], [sflag:$0x3] =	stream.indirect_vreg.gather [hbm4b:s1+s3], $0x80, v22, vm0, $0xb8;
	[tilespmem:$0x18100] =	vst v63  }
0xaa: {  	v21 =	vperm.xlane v21, v14  }
0xab: {  	[tilespmem:s16], [sflag:$0x3] =	stream.indirect_vreg.gather [hbm4b:s5+s3], $0x80, v22, vm0, $0xb8;
	[tilespmem:$0x18100] =	vst v63  }
0xac: {  	v21 =	vadd.s32 v15, v21  }
0xad: {  	[tilespmem:s17], [sflag:$0x3] =	stream.indirect_vreg.gather [hbm4b:s6+s3], $0x80, v22, vm0, $0xb8;
	[tilespmem:$0x18100] =	vst v63  }
0xae: {  	_ = 	snop  }
0xaf: {  	[tilespmem:s18], [sflag:$0x3] =	stream.indirect_vreg.gather [hbm4b:s7+s3], $0x80, v22, vm0, $0xb8;
	[tilespmem:$0x18100] =	vst v63  }
0xb0: {  	_ = 	snop  }
0xb1: {  	[tilespmem:s28], [sflag:$0x3] =	stream.indirect_vreg.gather [hbm4b:s1+s3], $0x80, v21, vm0, $0xb8;
	[tilespmem:$0x18100] =	vst v63  }
0xb2: {  	_ = 	snop  }
0xb3: {  	[tilespmem:s29], [sflag:$0x3] =	stream.indirect_vreg.gather [hbm4b:s5+s3], $0x80, v21, vm0, $0xb8;
	[tilespmem:$0x18100] =	vst v63  }
0xb4: {  	_ = 	snop  }
0xb5: {  	[tilespmem:s30], [sflag:$0x3] =	stream.indirect_vreg.gather [hbm4b:s6+s3], $0x80, v21, vm0, $0xb8;
	[tilespmem:$0x18100] =	vst v63  }
0xb6: {  	_ = 	snop  }
0xb7: {  	[tilespmem:s31], [sflag:$0x3] =	stream.indirect_vreg.gather [hbm4b:s7+s3], $0x80, v21, vm0, $0xb8;
	[tilespmem:$0x18100] =	vst v63  }
0xb8: {  	_ =	swait.ge [sflag:s19], $0x8000  }
0xb9: {  	[sflag:s19] =	ssyncset.done $0x0  }
0xba: {  	s24 =	rddreg [dreg:$0x3];
	[sflag:s19] =	ssyncadd.s32 $0xFFFF8000  }
0xbb: {  	[hbm4b:s24+s3] =	stream.linear.scatter [tilespmem:s25], [sflag:$0x4], $0x8000, $0x38;
	[tilespmem:$0x18100] =	vst v63  }
0xbc: {  	_ =	swait.ge [sflag:s20], $0x8000  }
0xbd: {  	[sflag:s20] =	ssyncset.done $0x0  }
0xbe: {  	[sflag:s20] =	ssyncadd.s32 $0xFFFF8000  }
0xbf: {  	v21 =	vld [tilespmem:$0x60];
	_ =	sdelay $0x4  }
0xc0: {  	v22 =	vshll.u32 v21, $0x3  }
0xc1: {  	v21 =	vand.u32 $0x7, v21;
	v22 =	vand.u32 $0xFFFFFFC0, v22  }
0xc2: {  	v21 =	vor.u32 v21, v22  }
0xc3: {  	v22 =	vperm.xlane v21, v0;
	_ =	sdelay $0x1  }
0xc4: {  	v22 =	vadd.s32 v15, v22;
	_ =	sdelay $0x4  }
0xc5: {  	[tilespmem:s25], [sflag:$0x1] =	stream.indirect_vreg.gather [hbm4b:s1+s3], $0x80, v22, vm0, $0xb8;
	[tilespmem:$0x18100] =	vst v63  }
0xc6: {  	s24 =	simm.s32 $0x900;
	v21 =	vperm.xlane v21, v14  }
0xc7: {  	[tilespmem:s24], [sflag:$0x1] =	stream.indirect_vreg.gather [hbm4b:s5+s3], $0x80, v22, vm0, $0xb8;
	[tilespmem:$0x18100] =	vst v63  }
0xc8: {  	v21 =	vadd.s32 v15, v21;
	s24 =	simm.s32 $0x1100  }
0xc9: {  	[tilespmem:s24], [sflag:$0x1] =	stream.indirect_vreg.gather [hbm4b:s6+s3], $0x80, v22, vm0, $0xb8;
	[tilespmem:$0x18100] =	vst v63  }
0xca: {  	s24 =	simm.s32 $0x1900  }
0xcb: {  	[tilespmem:s24], [sflag:$0x1] =	stream.indirect_vreg.gather [hbm4b:s7+s3], $0x80, v22, vm0, $0xb8;
	[tilespmem:$0x18100] =	vst v63  }
0xcc: {  	s24 =	simm.s32 $0x2100  }
0xcd: {  	[tilespmem:s24], [sflag:$0x1] =	stream.indirect_vreg.gather [hbm4b:s1+s3], $0x80, v21, vm0, $0xb8;
	[tilespmem:$0x18100] =	vst v63  }
0xce: {  	s24 =	simm.s32 $0x2900  }
0xcf: {  	[tilespmem:s24], [sflag:$0x1] =	stream.indirect_vreg.gather [hbm4b:s5+s3], $0x80, v21, vm0, $0xb8;
	[tilespmem:$0x18100] =	vst v63  }
0xd0: {  	s24 =	simm.s32 $0x3100  }
0xd1: {  	[tilespmem:s24], [sflag:$0x1] =	stream.indirect_vreg.gather [hbm4b:s6+s3], $0x80, v21, vm0, $0xb8;
	[tilespmem:$0x18100] =	vst v63  }
0xd2: {  	s24 =	simm.s32 $0x3900  }
0xd3: {  	[tilespmem:s24], [sflag:$0x1] =	stream.indirect_vreg.gather [hbm4b:s7+s3], $0x80, v21, vm0, $0xb8;
	[tilespmem:$0x18100] =	vst v63  }
0xd4: {  	v21 =	vld [tilespmem:$0x70];
	_ =	sdelay $0x4  }
0xd5: {  	v22 =	vshll.u32 v21, $0x3  }
0xd6: {  	v21 =	vand.u32 $0x7, v21;
	v22 =	vand.u32 $0xFFFFFFC0, v22  }
0xd7: {  	v21 =	vor.u32 v21, v22  }
0xd8: {  	v22 =	vperm.xlane v21, v0;
	_ =	sdelay $0x1  }
0xd9: {  	v22 =	vadd.s32 v15, v22;
	_ =	sdelay $0x3  }
0xda: {  	s24 =	simm.s32 $0x4100  }
0xdb: {  	[tilespmem:s24], [sflag:$0x1] =	stream.indirect_vreg.gather [hbm4b:s1+s3], $0x80, v22, vm0, $0xb8;
	[tilespmem:$0x18100] =	vst v63  }
0xdc: {  	v21 =	vperm.xlane v21, v14;
	s24 =	simm.s32 $0x4900  }
0xdd: {  	[tilespmem:s24], [sflag:$0x1] =	stream.indirect_vreg.gather [hbm4b:s5+s3], $0x80, v22, vm0, $0xb8;
	[tilespmem:$0x18100] =	vst v63  }
0xde: {  	v21 =	vadd.s32 v15, v21;
	s24 =	simm.s32 $0x5100  }
0xdf: {  	[tilespmem:s24], [sflag:$0x1] =	stream.indirect_vreg.gather [hbm4b:s6+s3], $0x80, v22, vm0, $0xb8;
	[tilespmem:$0x18100] =	vst v63  }
0xe0: {  	s24 =	simm.s32 $0x5900  }
0xe1: {  	[tilespmem:s24], [sflag:$0x1] =	stream.indirect_vreg.gather [hbm4b:s7+s3], $0x80, v22, vm0, $0xb8;
	[tilespmem:$0x18100] =	vst v63  }
0xe2: {  	s24 =	simm.s32 $0x6100  }
0xe3: {  	[tilespmem:s24], [sflag:$0x1] =	stream.indirect_vreg.gather [hbm4b:s1+s3], $0x80, v21, vm0, $0xb8;
	[tilespmem:$0x18100] =	vst v63  }
0xe4: {  	s24 =	simm.s32 $0x6900  }
0xe5: {  	[tilespmem:s24], [sflag:$0x1] =	stream.indirect_vreg.gather [hbm4b:s5+s3], $0x80, v21, vm0, $0xb8;
	[tilespmem:$0x18100] =	vst v63  }
0xe6: {  	s24 =	simm.s32 $0x7100  }
0xe7: {  	[tilespmem:s24], [sflag:$0x1] =	stream.indirect_vreg.gather [hbm4b:s6+s3], $0x80, v21, vm0, $0xb8;
	[tilespmem:$0x18100] =	vst v63  }
0xe8: {  	s24 =	simm.s32 $0x7900  }
0xe9: {  	[tilespmem:s24], [sflag:$0x1] =	stream.indirect_vreg.gather [hbm4b:s7+s3], $0x80, v21, vm0, $0xb8;
	[tilespmem:$0x18100] =	vst v63  }
0xea: {  	_ =	swait.ge [sflag:s21], $0x8000  }
0xeb: {  	[sflag:s21] =	ssyncset.done $0x0  }
0xec: {  	s24 =	rddreg [dreg:$0x4];
	[sflag:s21] =	ssyncadd.s32 $0xFFFF8000  }
0xed: {  	[hbm4b:s24+s3] =	stream.linear.scatter [tilespmem:s0], [sflag:$0x5], $0x8000, $0x38;
	[tilespmem:$0x18100] =	vst v63  }
0xee: {  	_ =	swait.ge [sflag:s4], $0x8000  }
0xef: {  	[sflag:s4] =	ssyncset.done $0x0  }
0xf0: {  	[sflag:s4] =	ssyncadd.s32 $0xFFFF8000  }
0xf1: {  	v21 =	vld [tilespmem:$0x80];
	_ =	sdelay $0x4  }
0xf2: {  	v22 =	vshll.u32 v21, $0x3  }
0xf3: {  	v21 =	vand.u32 $0x7, v21;
	v22 =	vand.u32 $0xFFFFFFC0, v22  }
0xf4: {  	v21 =	vor.u32 v21, v22  }
0xf5: {  	v22 =	vperm.xlane v21, v0;
	_ =	sdelay $0x1  }
0xf6: {  	v22 =	vadd.s32 v15, v22;
	_ =	sdelay $0x4  }
0xf7: {  	[tilespmem:s0], [sflag:$0x2] =	stream.indirect_vreg.gather [hbm4b:s1+s3], $0x80, v22, vm0, $0xb8;
	[tilespmem:$0x18100] =	vst v63  }
0xf8: {  	s24 =	simm.s32 $0x8900;
	v21 =	vperm.xlane v21, v14  }
0xf9: {  	[tilespmem:s24], [sflag:$0x2] =	stream.indirect_vreg.gather [hbm4b:s5+s3], $0x80, v22, vm0, $0xb8;
	[tilespmem:$0x18100] =	vst v63  }
0xfa: {  	v21 =	vadd.s32 v15, v21;
	s24 =	simm.s32 $0x9100  }
0xfb: {  	[tilespmem:s24], [sflag:$0x2] =	stream.indirect_vreg.gather [hbm4b:s6+s3], $0x80, v22, vm0, $0xb8;
	[tilespmem:$0x18100] =	vst v63  }
0xfc: {  	s24 =	simm.s32 $0x9900  }
0xfd: {  	[tilespmem:s24], [sflag:$0x2] =	stream.indirect_vreg.gather [hbm4b:s7+s3], $0x80, v22, vm0, $0xb8;
	[tilespmem:$0x18100] =	vst v63  }
0xfe: {  	s24 =	simm.s32 $0xA100  }
0xff: {  	[tilespmem:s24], [sflag:$0x2] =	stream.indirect_vreg.gather [hbm4b:s1+s3], $0x80, v21, vm0, $0xb8;
	[tilespmem:$0x18100] =	vst v63  }
0x100: {  	s24 =	simm.s32 $0xA900  }
0x101: {  	[tilespmem:s24], [sflag:$0x2] =	stream.indirect_vreg.gather [hbm4b:s5+s3], $0x80, v21, vm0, $0xb8;
	[tilespmem:$0x18100] =	vst v63  }
0x102: {  	s24 =	simm.s32 $0xB100  }
0x103: {  	[tilespmem:s24], [sflag:$0x2] =	stream.indirect_vreg.gather [hbm4b:s6+s3], $0x80, v21, vm0, $0xb8;
	[tilespmem:$0x18100] =	vst v63  }
0x104: {  	s24 =	simm.s32 $0xB900  }
0x105: {  	[tilespmem:s24], [sflag:$0x2] =	stream.indirect_vreg.gather [hbm4b:s7+s3], $0x80, v21, vm0, $0xb8;
	[tilespmem:$0x18100] =	vst v63  }
0x106: {  	v21 =	vld [tilespmem:$0x90];
	_ =	sdelay $0x4  }
0x107: {  	v22 =	vshll.u32 v21, $0x3  }
0x108: {  	v21 =	vand.u32 $0x7, v21;
	v22 =	vand.u32 $0xFFFFFFC0, v22  }
0x109: {  	v21 =	vor.u32 v21, v22  }
0x10a: {  	v22 =	vperm.xlane v21, v0;
	_ =	sdelay $0x1  }
0x10b: {  	v22 =	vadd.s32 v15, v22;
	_ =	sdelay $0x3  }
0x10c: {  	s24 =	simm.s32 $0xC100  }
0x10d: {  	[tilespmem:s24], [sflag:$0x2] =	stream.indirect_vreg.gather [hbm4b:s1+s3], $0x80, v22, vm0, $0xb8;
	[tilespmem:$0x18100] =	vst v63  }
0x10e: {  	v21 =	vperm.xlane v21, v14;
	s24 =	simm.s32 $0xC900  }
0x10f: {  	[tilespmem:s24], [sflag:$0x2] =	stream.indirect_vreg.gather [hbm4b:s5+s3], $0x80, v22, vm0, $0xb8;
	[tilespmem:$0x18100] =	vst v63  }
0x110: {  	v21 =	vadd.s32 v15, v21;
	s24 =	simm.s32 $0xD100  }
0x111: {  	[tilespmem:s24], [sflag:$0x2] =	stream.indirect_vreg.gather [hbm4b:s6+s3], $0x80, v22, vm0, $0xb8;
	[tilespmem:$0x18100] =	vst v63  }
0x112: {  	s24 =	simm.s32 $0xD900  }
0x113: {  	[tilespmem:s24], [sflag:$0x2] =	stream.indirect_vreg.gather [hbm4b:s7+s3], $0x80, v22, vm0, $0xb8;
	[tilespmem:$0x18100] =	vst v63  }
0x114: {  	s24 =	simm.s32 $0xE100  }
0x115: {  	[tilespmem:s24], [sflag:$0x2] =	stream.indirect_vreg.gather [hbm4b:s1+s3], $0x80, v21, vm0, $0xb8;
	[tilespmem:$0x18100] =	vst v63  }
0x116: {  	s24 =	simm.s32 $0xE900  }
0x117: {  	[tilespmem:s24], [sflag:$0x2] =	stream.indirect_vreg.gather [hbm4b:s5+s3], $0x80, v21, vm0, $0xb8;
	[tilespmem:$0x18100] =	vst v63  }
0x118: {  	s24 =	simm.s32 $0xF100  }
0x119: {  	[tilespmem:s24], [sflag:$0x2] =	stream.indirect_vreg.gather [hbm4b:s6+s3], $0x80, v21, vm0, $0xb8;
	[tilespmem:$0x18100] =	vst v63  }
0x11a: {  	s24 =	simm.s32 $0xF900  }
0x11b: {  	[tilespmem:s24], [sflag:$0x2] =	stream.indirect_vreg.gather [hbm4b:s7+s3], $0x80, v21, vm0, $0xb8;
	[tilespmem:$0x18100] =	vst v63  }
0x11c: {  	_ =	swait.ge [sflag:s26], $0x8000  }
0x11d: {  	[sflag:s26] =	ssyncset.done $0x0  }
0x11e: {  	s24 =	rddreg [dreg:$0x5];
	[sflag:s26] =	ssyncadd.s32 $0xFFFF8000  }
0x11f: {  	[hbm4b:s24+s3] =	stream.linear.scatter [tilespmem:s2], [sflag:$0x6], $0x8000, $0x38;
	[tilespmem:$0x18100] =	vst v63  }
0x120: {  	_ =	swait.ge [sflag:s23], $0x8000  }
0x121: {  	[sflag:s23] =	ssyncset.done $0x0  }
0x122: {  	[sflag:s23] =	ssyncadd.s32 $0xFFFF8000  }
0x123: {  	v21 =	vld [tilespmem:$0xA0];
	_ =	sdelay $0x4  }
0x124: {  	v22 =	vshll.u32 v21, $0x3  }
0x125: {  	v21 =	vand.u32 $0x7, v21;
	v22 =	vand.u32 $0xFFFFFFC0, v22  }
0x126: {  	v21 =	vor.u32 v21, v22  }
0x127: {  	v22 =	vperm.xlane v21, v0;
	_ =	sdelay $0x1  }
0x128: {  	v22 =	vadd.s32 v15, v22;
	_ =	sdelay $0x4  }
0x129: {  	[tilespmem:s2], [sflag:$0x3] =	stream.indirect_vreg.gather [hbm4b:s1+s3], $0x80, v22, vm0, $0xb8;
	[tilespmem:$0x18100] =	vst v63  }
0x12a: {  	v21 =	vperm.xlane v21, v14  }
0x12b: {  	[tilespmem:s22], [sflag:$0x3] =	stream.indirect_vreg.gather [hbm4b:s5+s3], $0x80, v22, vm0, $0xb8;
	[tilespmem:$0x18100] =	vst v63  }
0x12c: {  	v21 =	vadd.s32 v15, v21  }
0x12d: {  	[tilespmem:s9], [sflag:$0x3] =	stream.indirect_vreg.gather [hbm4b:s6+s3], $0x80, v22, vm0, $0xb8;
	[tilespmem:$0x18100] =	vst v63  }
0x12e: {  	_ = 	snop  }
0x12f: {  	[tilespmem:s10], [sflag:$0x3] =	stream.indirect_vreg.gather [hbm4b:s7+s3], $0x80, v22, vm0, $0xb8;
	[tilespmem:$0x18100] =	vst v63  }
0x130: {  	_ = 	snop  }
0x131: {  	[tilespmem:s11], [sflag:$0x3] =	stream.indirect_vreg.gather [hbm4b:s1+s3], $0x80, v21, vm0, $0xb8;
	[tilespmem:$0x18100] =	vst v63  }
0x132: {  	_ = 	snop  }
0x133: {  	[tilespmem:s12], [sflag:$0x3] =	stream.indirect_vreg.gather [hbm4b:s5+s3], $0x80, v21, vm0, $0xb8;
	[tilespmem:$0x18100] =	vst v63  }
0x134: {  	_ = 	snop  }
0x135: {  	[tilespmem:s13], [sflag:$0x3] =	stream.indirect_vreg.gather [hbm4b:s6+s3], $0x80, v21, vm0, $0xb8;
	[tilespmem:$0x18100] =	vst v63  }
0x136: {  	_ = 	snop  }
0x137: {  	[tilespmem:s14], [sflag:$0x3] =	stream.indirect_vreg.gather [hbm4b:s7+s3], $0x80, v21, vm0, $0xb8;
	[tilespmem:$0x18100] =	vst v63  }
0x138: {  	v21 =	vld [tilespmem:$0xB0];
	_ =	sdelay $0x4  }
0x139: {  	v22 =	vshll.u32 v21, $0x3  }
0x13a: {  	v21 =	vand.u32 $0x7, v21;
	v22 =	vand.u32 $0xFFFFFFC0, v22  }
0x13b: {  	v21 =	vor.u32 v21, v22  }
0x13c: {  	v22 =	vperm.xlane v21, v0;
	_ =	sdelay $0x1  }
0x13d: {  	v22 =	vadd.s32 v15, v22;
	_ =	sdelay $0x4  }
0x13e: {  	[tilespmem:s15], [sflag:$0x3] =	stream.indirect_vreg.gather [hbm4b:s1+s3], $0x80, v22, vm0, $0xb8;
	[tilespmem:$0x18100] =	vst v63  }
0x13f: {  	v21 =	vperm.xlane v21, v14  }
0x140: {  	[tilespmem:s16], [sflag:$0x3] =	stream.indirect_vreg.gather [hbm4b:s5+s3], $0x80, v22, vm0, $0xb8;
	[tilespmem:$0x18100] =	vst v63  }
0x141: {  	v21 =	vadd.s32 v15, v21  }
0x142: {  	[tilespmem:s17], [sflag:$0x3] =	stream.indirect_vreg.gather [hbm4b:s6+s3], $0x80, v22, vm0, $0xb8;
	[tilespmem:$0x18100] =	vst v63  }
0x143: {  	_ = 	snop  }
0x144: {  	[tilespmem:s18], [sflag:$0x3] =	stream.indirect_vreg.gather [hbm4b:s7+s3], $0x80, v22, vm0, $0xb8;
	[tilespmem:$0x18100] =	vst v63  }
0x145: {  	_ = 	snop  }
0x146: {  	[tilespmem:s28], [sflag:$0x3] =	stream.indirect_vreg.gather [hbm4b:s1+s3], $0x80, v21, vm0, $0xb8;
	[tilespmem:$0x18100] =	vst v63  }
0x147: {  	_ = 	snop  }
0x148: {  	[tilespmem:s29], [sflag:$0x3] =	stream.indirect_vreg.gather [hbm4b:s5+s3], $0x80, v21, vm0, $0xb8;
	[tilespmem:$0x18100] =	vst v63  }
0x149: {  	_ = 	snop  }
0x14a: {  	[tilespmem:s30], [sflag:$0x3] =	stream.indirect_vreg.gather [hbm4b:s6+s3], $0x80, v21, vm0, $0xb8;
	[tilespmem:$0x18100] =	vst v63  }
0x14b: {  	_ = 	snop  }
0x14c: {  	[tilespmem:s31], [sflag:$0x3] =	stream.indirect_vreg.gather [hbm4b:s7+s3], $0x80, v21, vm0, $0xb8;
	[tilespmem:$0x18100] =	vst v63  }
0x14d: {  	_ =	swait.ge [sflag:s19], $0x8000  }
0x14e: {  	[sflag:s19] =	ssyncset.done $0x0  }
0x14f: {  	s9 =	rddreg [dreg:$0x6];
	[sflag:s19] =	ssyncadd.s32 $0xFFFF8000  }
0x150: {  	[hbm4b:s9+s3] =	stream.linear.scatter [tilespmem:s25], [sflag:$0x4], $0x8000, $0x38;
	[tilespmem:$0x18100] =	vst v63  }
0x151: {  	_ =	swait.ge [sflag:s20], $0x8000  }
0x152: {  	[sflag:s20] =	ssyncset.done $0x0  }
0x153: {  	[sflag:s20] =	ssyncadd.s32 $0xFFFF8000  }
0x154: {  	v21 =	vld [tilespmem:$0xC0];
	_ =	sdelay $0x4  }
0x155: {  	v22 =	vshll.u32 v21, $0x3  }
0x156: {  	v21 =	vand.u32 $0x7, v21;
	v22 =	vand.u32 $0xFFFFFFC0, v22  }
0x157: {  	v21 =	vor.u32 v21, v22  }
0x158: {  	v22 =	vperm.xlane v21, v0;
	_ =	sdelay $0x1  }
0x159: {  	v22 =	vadd.s32 v15, v22;
	_ =	sdelay $0x4  }
0x15a: {  	[tilespmem:s25], [sflag:$0x1] =	stream.indirect_vreg.gather [hbm4b:s1+s3], $0x80, v22, vm0, $0xb8;
	[tilespmem:$0x18100] =	vst v63  }
0x15b: {  	s24 =	simm.s32 $0x900;
	v21 =	vperm.xlane v21, v14  }
0x15c: {  	[tilespmem:s24], [sflag:$0x1] =	stream.indirect_vreg.gather [hbm4b:s5+s3], $0x80, v22, vm0, $0xb8;
	[tilespmem:$0x18100] =	vst v63  }
0x15d: {  	v21 =	vadd.s32 v15, v21;
	s24 =	simm.s32 $0x1100  }
0x15e: {  	[tilespmem:s24], [sflag:$0x1] =	stream.indirect_vreg.gather [hbm4b:s6+s3], $0x80, v22, vm0, $0xb8;
	[tilespmem:$0x18100] =	vst v63  }
0x15f: {  	s24 =	simm.s32 $0x1900  }
0x160: {  	[tilespmem:s24], [sflag:$0x1] =	stream.indirect_vreg.gather [hbm4b:s7+s3], $0x80, v22, vm0, $0xb8;
	[tilespmem:$0x18100] =	vst v63  }
0x161: {  	s24 =	simm.s32 $0x2100  }
0x162: {  	[tilespmem:s24], [sflag:$0x1] =	stream.indirect_vreg.gather [hbm4b:s1+s3], $0x80, v21, vm0, $0xb8;
	[tilespmem:$0x18100] =	vst v63  }
0x163: {  	s24 =	simm.s32 $0x2900  }
0x164: {  	[tilespmem:s24], [sflag:$0x1] =	stream.indirect_vreg.gather [hbm4b:s5+s3], $0x80, v21, vm0, $0xb8;
	[tilespmem:$0x18100] =	vst v63  }
0x165: {  	s24 =	simm.s32 $0x3100  }
0x166: {  	[tilespmem:s24], [sflag:$0x1] =	stream.indirect_vreg.gather [hbm4b:s6+s3], $0x80, v21, vm0, $0xb8;
	[tilespmem:$0x18100] =	vst v63  }
0x167: {  	s24 =	simm.s32 $0x3900  }
0x168: {  	[tilespmem:s24], [sflag:$0x1] =	stream.indirect_vreg.gather [hbm4b:s7+s3], $0x80, v21, vm0, $0xb8;
	[tilespmem:$0x18100] =	vst v63  }
0x169: {  	v21 =	vld [tilespmem:$0xD0];
	_ =	sdelay $0x4  }
0x16a: {  	v22 =	vshll.u32 v21, $0x3  }
0x16b: {  	v21 =	vand.u32 $0x7, v21;
	v22 =	vand.u32 $0xFFFFFFC0, v22  }
0x16c: {  	v21 =	vor.u32 v21, v22  }
0x16d: {  	v22 =	vperm.xlane v21, v0;
	_ =	sdelay $0x1  }
0x16e: {  	v22 =	vadd.s32 v15, v22;
	_ =	sdelay $0x3  }
0x16f: {  	s24 =	simm.s32 $0x4100  }
0x170: {  	[tilespmem:s24], [sflag:$0x1] =	stream.indirect_vreg.gather [hbm4b:s1+s3], $0x80, v22, vm0, $0xb8;
	[tilespmem:$0x18100] =	vst v63  }
0x171: {  	v21 =	vperm.xlane v21, v14;
	s24 =	simm.s32 $0x4900  }
0x172: {  	[tilespmem:s24], [sflag:$0x1] =	stream.indirect_vreg.gather [hbm4b:s5+s3], $0x80, v22, vm0, $0xb8;
	[tilespmem:$0x18100] =	vst v63  }
0x173: {  	v21 =	vadd.s32 v15, v21;
	s24 =	simm.s32 $0x5100  }
0x174: {  	[tilespmem:s24], [sflag:$0x1] =	stream.indirect_vreg.gather [hbm4b:s6+s3], $0x80, v22, vm0, $0xb8;
	[tilespmem:$0x18100] =	vst v63  }
0x175: {  	s24 =	simm.s32 $0x5900  }
0x176: {  	[tilespmem:s24], [sflag:$0x1] =	stream.indirect_vreg.gather [hbm4b:s7+s3], $0x80, v22, vm0, $0xb8;
	[tilespmem:$0x18100] =	vst v63  }
0x177: {  	s24 =	simm.s32 $0x6100  }
0x178: {  	[tilespmem:s24], [sflag:$0x1] =	stream.indirect_vreg.gather [hbm4b:s1+s3], $0x80, v21, vm0, $0xb8;
	[tilespmem:$0x18100] =	vst v63  }
0x179: {  	s24 =	simm.s32 $0x6900  }
0x17a: {  	[tilespmem:s24], [sflag:$0x1] =	stream.indirect_vreg.gather [hbm4b:s5+s3], $0x80, v21, vm0, $0xb8;
	[tilespmem:$0x18100] =	vst v63  }
0x17b: {  	s24 =	simm.s32 $0x7100  }
0x17c: {  	[tilespmem:s24], [sflag:$0x1] =	stream.indirect_vreg.gather [hbm4b:s6+s3], $0x80, v21, vm0, $0xb8;
	[tilespmem:$0x18100] =	vst v63  }
0x17d: {  	s24 =	simm.s32 $0x7900  }
0x17e: {  	[tilespmem:s24], [sflag:$0x1] =	stream.indirect_vreg.gather [hbm4b:s7+s3], $0x80, v21, vm0, $0xb8;
	[tilespmem:$0x18100] =	vst v63  }
0x17f: {  	_ =	swait.ge [sflag:s21], $0x8000  }
0x180: {  	[sflag:s21] =	ssyncset.done $0x0  }
0x181: {  	s9 =	rddreg [dreg:$0x7];
	[sflag:s21] =	ssyncadd.s32 $0xFFFF8000  }
0x182: {  	[hbm4b:s9+s3] =	stream.linear.scatter [tilespmem:s0], [sflag:$0x5], $0x8000, $0x38;
	[tilespmem:$0x18100] =	vst v63  }
0x183: {  	_ =	swait.ge [sflag:s4], $0x8000  }
0x184: {  	[sflag:s4] =	ssyncset.done $0x0  }
0x185: {  	[sflag:s4] =	ssyncadd.s32 $0xFFFF8000  }
0x186: {  	v21 =	vld [tilespmem:$0xE0];
	_ =	sdelay $0x4  }
0x187: {  	v22 =	vshll.u32 v21, $0x3  }
0x188: {  	v21 =	vand.u32 $0x7, v21;
	v22 =	vand.u32 $0xFFFFFFC0, v22  }
0x189: {  	v21 =	vor.u32 v21, v22  }
0x18a: {  	v22 =	vperm.xlane v21, v0;
	_ =	sdelay $0x1  }
0x18b: {  	v22 =	vadd.s32 v15, v22;
	_ =	sdelay $0x4  }
0x18c: {  	[tilespmem:s0], [sflag:$0x2] =	stream.indirect_vreg.gather [hbm4b:s1+s3], $0x80, v22, vm0, $0xb8;
	[tilespmem:$0x18100] =	vst v63  }
0x18d: {  	s24 =	simm.s32 $0x8900;
	v21 =	vperm.xlane v21, v14  }
0x18e: {  	[tilespmem:s24], [sflag:$0x2] =	stream.indirect_vreg.gather [hbm4b:s5+s3], $0x80, v22, vm0, $0xb8;
	[tilespmem:$0x18100] =	vst v63  }
0x18f: {  	v21 =	vadd.s32 v15, v21;
	s24 =	simm.s32 $0x9100  }
0x190: {  	[tilespmem:s24], [sflag:$0x2] =	stream.indirect_vreg.gather [hbm4b:s6+s3], $0x80, v22, vm0, $0xb8;
	[tilespmem:$0x18100] =	vst v63  }
0x191: {  	s24 =	simm.s32 $0x9900  }
0x192: {  	[tilespmem:s24], [sflag:$0x2] =	stream.indirect_vreg.gather [hbm4b:s7+s3], $0x80, v22, vm0, $0xb8;
	[tilespmem:$0x18100] =	vst v63  }
0x193: {  	s24 =	simm.s32 $0xA100  }
0x194: {  	[tilespmem:s24], [sflag:$0x2] =	stream.indirect_vreg.gather [hbm4b:s1+s3], $0x80, v21, vm0, $0xb8;
	[tilespmem:$0x18100] =	vst v63  }
0x195: {  	s24 =	simm.s32 $0xA900  }
0x196: {  	[tilespmem:s24], [sflag:$0x2] =	stream.indirect_vreg.gather [hbm4b:s5+s3], $0x80, v21, vm0, $0xb8;
	[tilespmem:$0x18100] =	vst v63  }
0x197: {  	s24 =	simm.s32 $0xB100  }
0x198: {  	[tilespmem:s24], [sflag:$0x2] =	stream.indirect_vreg.gather [hbm4b:s6+s3], $0x80, v21, vm0, $0xb8;
	[tilespmem:$0x18100] =	vst v63  }
0x199: {  	s24 =	simm.s32 $0xB900  }
0x19a: {  	[tilespmem:s24], [sflag:$0x2] =	stream.indirect_vreg.gather [hbm4b:s7+s3], $0x80, v21, vm0, $0xb8;
	[tilespmem:$0x18100] =	vst v63  }
0x19b: {  	v21 =	vld [tilespmem:$0xF0];
	_ =	sdelay $0x4  }
0x19c: {  	v22 =	vshll.u32 v21, $0x3  }
0x19d: {  	v21 =	vand.u32 $0x7, v21;
	v22 =	vand.u32 $0xFFFFFFC0, v22  }
0x19e: {  	v21 =	vor.u32 v21, v22  }
0x19f: {  	v22 =	vperm.xlane v21, v0;
	_ =	sdelay $0x1  }
0x1a0: {  	v22 =	vadd.s32 v15, v22;
	_ =	sdelay $0x3  }
0x1a1: {  	s24 =	simm.s32 $0xC100  }
0x1a2: {  	[tilespmem:s24], [sflag:$0x2] =	stream.indirect_vreg.gather [hbm4b:s1+s3], $0x80, v22, vm0, $0xb8;
	[tilespmem:$0x18100] =	vst v63  }
0x1a3: {  	v21 =	vperm.xlane v21, v14;
	s24 =	simm.s32 $0xC900  }
0x1a4: {  	[tilespmem:s24], [sflag:$0x2] =	stream.indirect_vreg.gather [hbm4b:s5+s3], $0x80, v22, vm0, $0xb8;
	[tilespmem:$0x18100] =	vst v63  }
0x1a5: {  	v21 =	vadd.s32 v15, v21;
	s24 =	simm.s32 $0xD100  }
0x1a6: {  	[tilespmem:s24], [sflag:$0x2] =	stream.indirect_vreg.gather [hbm4b:s6+s3], $0x80, v22, vm0, $0xb8;
	[tilespmem:$0x18100] =	vst v63  }
0x1a7: {  	s24 =	simm.s32 $0xD900  }
0x1a8: {  	[tilespmem:s24], [sflag:$0x2] =	stream.indirect_vreg.gather [hbm4b:s7+s3], $0x80, v22, vm0, $0xb8;
	[tilespmem:$0x18100] =	vst v63  }
0x1a9: {  	s24 =	simm.s32 $0xE100  }
0x1aa: {  	[tilespmem:s24], [sflag:$0x2] =	stream.indirect_vreg.gather [hbm4b:s1+s3], $0x80, v21, vm0, $0xb8;
	[tilespmem:$0x18100] =	vst v63  }
0x1ab: {  	s24 =	simm.s32 $0xE900  }
0x1ac: {  	[tilespmem:s24], [sflag:$0x2] =	stream.indirect_vreg.gather [hbm4b:s5+s3], $0x80, v21, vm0, $0xb8;
	[tilespmem:$0x18100] =	vst v63  }
0x1ad: {  	s24 =	simm.s32 $0xF100  }
0x1ae: {  	[tilespmem:s24], [sflag:$0x2] =	stream.indirect_vreg.gather [hbm4b:s6+s3], $0x80, v21, vm0, $0xb8;
	[tilespmem:$0x18100] =	vst v63  }
0x1af: {  	s24 =	simm.s32 $0xF900  }
0x1b0: {  	[tilespmem:s24], [sflag:$0x2] =	stream.indirect_vreg.gather [hbm4b:s7+s3], $0x80, v21, vm0, $0xb8;
	[tilespmem:$0x18100] =	vst v63  }
0x1b1: {  	_ =	swait.ge [sflag:s26], $0x8000  }
0x1b2: {  	[sflag:s26] =	ssyncset.done $0x0  }
0x1b3: {  	s9 =	rddreg [dreg:$0x8];
	[sflag:s26] =	ssyncadd.s32 $0xFFFF8000  }
0x1b4: {  	[hbm4b:s9+s3] =	stream.linear.scatter [tilespmem:s2], [sflag:$0x6], $0x8000, $0x38;
	[tilespmem:$0x18100] =	vst v63  }
0x1b5: {  	_ =	swait.ge [sflag:s19], $0x8000  }
0x1b6: {  	[sflag:s19] =	ssyncset.done $0x0  }
0x1b7: {  	s2 =	rddreg [dreg:$0x9];
	[sflag:s19] =	ssyncadd.s32 $0xFFFF8000  }
0x1b8: {  	[hbm4b:s2+s3] =	stream.linear.scatter [tilespmem:s25], [sflag:$0x4], $0x8000, $0x38;
	[tilespmem:$0x18100] =	vst v63  }
0x1b9: {  	_ =	swait.ge [sflag:s21], $0x8000  }
0x1ba: {  	[sflag:s21] =	ssyncset.done $0x0  }
0x1bb: {  	s9 =	rddreg [dreg:$0xa];
	[sflag:s21] =	ssyncadd.s32 $0xFFFF8000  }
0x1bc: {  	[hbm4b:s9+s3] =	stream.linear.scatter [tilespmem:s0], [sflag:$0x5], $0x8000, $0x38;
	[tilespmem:$0x18100] =	vst v63  }
0x1bd: {  	_ =	swait.ge [sflag:s23], $0x8000  }
0x1be: {  	[sflag:s23] =	ssyncset.done $0x0  }
0x1bf: {  	[sflag:s23] =	ssyncadd.s32 $0xFFFF8000  }
0x1c0: {  	p0 =	sne.s32 s8, $0x1;
	_ =	swait.ge [sflag:s20], $0x8000  }
.Ltmp0:
0x1c1: {  	[sflag:s20] =	ssyncset.done $0x0;
	(pc) =	sbr.rel @p0 .LBB2_1-.Ltmp0, $4  }
0x1c2: {  	[sflag:s20] =	ssyncadd.s32 $0xFFFF8000  }
0x1c3: {  	_ =	swait.ge [sflag:s4], $0x8000  }
0x1c4: {  	[sflag:s4] =	ssyncset.done $0x0  }
0x1c5: {  	s8 =	sadd.s32 $0xFFFFFFFF, s8;
	[sflag:s4] =	ssyncadd.s32 $0xFFFF8000  }
0x1c6: {  	_ =	sfence.sel $0x180000  }
0x1c7: {  	[bflag:$0x0] =	sbarrier.arrive $0xFFFF  }
0x1c8: {  	_ =	strace $0x90000047  }
0x1c9: {  	s0 =	stileid.u32;
	[bflag:$0x2] =	sbarrier.arrive $0xFFFF  }
0x1ca: {  	p0 =	sne.s32 s0, $0x0;
	s0 =	rddreg [dreg:$0x2]  }
0x1cb: {  	s0 =	sadd.s32 @!p0 $0x100000, s0  }
0x1cc: {  	[sflag:s0] =	ssyncadd.tile.s32 @!p0 $0x1;
	_ =	shalt  }
.Lfunc_end2:
_tile_overlayer_lowered:
.L_overlay_start_2:
0x1cd: {  	(tag) =	ssettag $0x2  }
0x1ce: {  	s0 =	rddreg [dreg:$0x0];
	s2 =	stileid.u32  }
0x1cf: {  	s1 =	rddreg [dreg:$0x1];
	p0 =	sne.s32 s2, $0x0  }
0x1d0: {  	s3 =	rddreg [dreg:$0x2];
	[bflag:$0x3] =	sbarrier.arrive $0xFFFF;
	s2 =	simm.s32 @!p0 $0x1C07  }
0x1d1: {  	[timem:s3], [sflag:s2] =	dma.local @!p0 [hbm:s0], s1  }
0x1d2: {  	s0 =	simm.s32 @!p0 $0x7  }
0x1d3: {  	_ =	swait.ge @!p0 [sflag:s0], s1  }
0x1d4: {  	s1 =	ssub.s32 @!p0 $0x0, s1;
	[sflag:s0] =	ssyncset.done @!p0 $0x0  }
0x1d5: {  	[sflag:s0] =	ssyncadd.s32 @!p0 s1  }
0x1d6: {  	[bflag:$0x3] =	sbarrier.arrive $0xFFFF  }
0x1d7: {  	_ =	shalt  }

</sc_bundles>
